<compile_context>
chip_gen: v7x
topology: tpu7x:2x2x1
jax: 0.10.2.dev20260603
libtpu: 0.0.44.dev20260713+nightly
codegen_flags: <defaults>
</compile_context>

<pallas_src>
import functools

import jax
import jax.numpy as jnp
from jax import lax
from jax.experimental import pallas as pl
from jax.experimental.pallas import tpu as pltpu
from jax.experimental.pallas import tpu_sc as plsc

_B = 16
_MAX_NODES = 4096
_N = 32768
_D = 128

_NC = 2
_NS = 16
_QROWS = _MAX_NODES // 4
_CHUNK = 256
_CHUNKZ = 192
_ZROWS_PER_TILE = _CHUNKZ // _NS
_BITS = (128, 64, 32, 16, 8, 4, 2, 1)


def _to_dense_batch_sc(x, batch):
    mesh = plsc.VectorSubcoreMesh(core_axis_name="c", subcore_axis_name="s")

    @functools.partial(
        pl.kernel,
        mesh=mesh,
        out_type=jax.ShapeDtypeStruct((_B * _MAX_NODES, _D), jnp.float32),
        scratch_types=[
            pltpu.VMEM((_N,), jnp.int32),
            pltpu.VMEM((_CHUNK, _D), jnp.float32),
            pltpu.VMEM((_CHUNK, _D), jnp.float32),
            pltpu.VMEM((_ZROWS_PER_TILE, _D), jnp.float32),
            pltpu.VMEM_SHARED((_CHUNKZ, _D), jnp.float32),
            pltpu.SemaphoreType.DMA,
            pltpu.SemaphoreType.DMA,
            pltpu.SemaphoreType.DMA,
            pltpu.SemaphoreType.DMA,
            pltpu.SemaphoreType.DMA,
            pltpu.SemaphoreType.DMA,
        ],
        compiler_params=pltpu.CompilerParams(use_tc_tiling_on_sc=False,
                                             needs_layout_passes=False),
    )
    def run(x_hbm, batch_hbm, out_hbm, batch_v, stage0, stage1, zseed_v,
            zshared, bsem, rd0, rd1, wr0, wr1, zsem):
        sid = lax.axis_index("s")
        wid = sid * _NC + lax.axis_index("c")
        b = wid // 2
        qa = (b + wid) % 2

        batch_cp = pltpu.async_copy(batch_hbm, batch_v, bsem)

        def zinit(i, carry):
            for j in range(_D // 16):
                zseed_v[i, pl.ds(j * 16, 16)] = jnp.zeros((16,), jnp.float32)
            return carry

        lax.fori_loop(0, _ZROWS_PER_TILE, zinit, 0)
        pltpu.sync_copy(
            zseed_v,
            zshared.at[pl.ds(sid * _ZROWS_PER_TILE, _ZROWS_PER_TILE)])
        plsc.subcore_barrier()
        batch_cp.wait()

        def lower_bound(v):
            def step(_, lohi):
                lo, hi = lohi
                mid = (lo + hi) // 2
                row = batch_v[pl.ds(mid * 16, 16)]
                pred = row[0] < v
                return (jnp.where(pred, mid + 1, lo),
                        jnp.where(pred, hi, mid))

            nrows = _N // 16
            r, _ = lax.fori_loop(0, 11, step,
                                 (jnp.int32(0), jnp.int32(nrows)))
            rprev = jnp.maximum(r - 1, 0)
            row = batch_v[pl.ds(rprev * 16, 16)]
            cnt_lt = jnp.sum(jnp.where(row < v, 1, 0).astype(jnp.int32))
            return jnp.where(r == 0, 0, rprev * 16 + cnt_lt)

        seg_lo = lower_bound(b)
        seg_hi = lower_bound(b + 1)
        cnt = jnp.minimum(seg_hi - seg_lo, _MAX_NODES)

        def region_params(j):
            q = qa + j * (3 - 2 * qa)
            node_lo = q * _QROWS
            valid = jnp.clip(cnt - node_lo, 0, _QROWS)
            return valid, seg_lo + node_lo, b * _MAX_NODES + node_lo

        def zfire(j, nz):
            valid, _src0, dst0 = region_params(j)
            zcnt = _QROWS - valid
            zdst0 = dst0 + valid
            nzf = zcnt // _CHUNKZ

            def zbody(i, carry):
                pltpu.async_copy(
                    zshared,
                    out_hbm.at[pl.ds(zdst0 + i * _CHUNKZ, _CHUNKZ)], zsem)
                return carry

            lax.fori_loop(0, nzf, zbody, 0)
            return nz + nzf

        nz_total = lax.fori_loop(0, 2, zfire, jnp.int32(0))

        stages = (stage0, stage1)
        rds = (rd0, rd1)
        wrs = (wr0, wr1)

        def region_body(j, carry):
            valid, src0, dst0 = region_params(j)
            nf = valid // _CHUNK
            npair = (nf + 2) // 2

            def pbody(g, carry2):
                for hb in range(2):
                    i = 2 * g + hb
                    st, rs, ws = stages[hb], rds[hb], wrs[hb]

                    @pl.when(jnp.logical_and(i >= 2, i < nf))
                    def _():
                        pltpu.make_async_copy(
                            st, out_hbm.at[pl.ds(dst0, _CHUNK)], ws).wait()

                    @pl.when(i < nf)
                    def _():
                        pltpu.async_copy(
                            x_hbm.at[pl.ds(src0 + i * _CHUNK, _CHUNK)],
                            st, rs)

                    po = 1 - hb
                    pst, prs, pws = stages[po], rds[po], wrs[po]
                    im1 = i - 1

                    @pl.when(jnp.logical_and(im1 >= 0, im1 < nf))
                    def _():
                        pltpu.make_async_copy(
                            x_hbm.at[pl.ds(src0, _CHUNK)], pst, prs).wait()
                        pltpu.async_copy(
                            pst,
                            out_hbm.at[pl.ds(dst0 + im1 * _CHUNK, _CHUNK)],
                            pws)
                return carry2

            lax.fori_loop(0, npair, pbody, 0)

            @pl.when(nf >= 1)
            def _():
                pltpu.make_async_copy(
                    stage0, out_hbm.at[pl.ds(dst0, _CHUNK)], wr0).wait()

            @pl.when(nf >= 2)
            def _():
                pltpu.make_async_copy(
                    stage1, out_hbm.at[pl.ds(dst0, _CHUNK)], wr1).wait()

            rem = valid - nf * _CHUNK
            roff_src = src0 + nf * _CHUNK
            roff_dst = dst0 + nf * _CHUNK

            @pl.when(rem > 0)
            def _():
                src_c = jnp.minimum(roff_src, _N - _CHUNK)
                delta = roff_src - src_c
                pltpu.sync_copy(x_hbm.at[pl.ds(src_c, _CHUNK)], stage0)
                off = jnp.int32(0)
                for s in _BITS:
                    @pl.when((rem & s) != 0)
                    def _(s=s, off=off):
                        pltpu.sync_copy(
                            stage0.at[pl.ds(delta + off, s)],
                            out_hbm.at[pl.ds(roff_dst + off, s)])
                    off = off + (rem & s)

            zcnt = _QROWS - valid
            nzf = zcnt // _CHUNKZ
            zrem = zcnt - nzf * _CHUNKZ
            zoff = dst0 + valid + nzf * _CHUNKZ
            for s in _BITS:
                @pl.when((zrem & s) != 0)
                def _(s=s, zoff=zoff):
                    pltpu.sync_copy(zshared.at[pl.ds(0, s)],
                                    out_hbm.at[pl.ds(zoff, s)])
                zoff = zoff + (zrem & s)
            return carry

        lax.fori_loop(0, 2, region_body, 0)

        def zdrain(i, carry):
            pltpu.make_async_copy(
                zshared, out_hbm.at[pl.ds(0, _CHUNKZ)], zsem).wait()
            return carry

        lax.fori_loop(0, nz_total, zdrain, 0)

    return run(x, batch)


def kernel(x, batch):
    out = _to_dense_batch_sc(x, batch.astype(jnp.int32))
    return out.reshape(_B, _MAX_NODES, _D)

# --- scband reference (transcript-rebuilt; emitter-appended) ---
"""Pipeline reference for scband-read-out-40157944218270 (READ-ONLY COPY).

The authoritative reference and input builder live on the scoring server;
editing this copy changes nothing except your own understanding.
"""

import jax, jax.numpy as jnp
import numpy as np

B = 16
MAX_NODES = 4096
N = 32768
D = 128

def setup_inputs(seed: int = 0) -> dict:
    key = jax.random.key(seed)
    k1, k2 = jax.random.split(key)
    x = jax.random.normal(k1, (N, D), dtype=jnp.float32)
    batch = jnp.sort(jax.random.randint(k2, (N,), 0, B))
    return {"x": x, "batch": batch}

def reference(x, batch):
    # Faithful translation of torch_geometric.utils.to_dense_batch(x, batch, 0.0, MAX_NODES)[0]
    n = x.shape[0]
    counts = jnp.bincount(batch, length=B)
    ptr = jnp.concatenate([jnp.zeros((1,), counts.dtype), jnp.cumsum(counts)])
    # position of each node within its graph
    pos = jnp.arange(n, dtype=ptr.dtype) - ptr[batch]
    # nodes whose position >= MAX_NODES are dropped (routed to a dummy row)
    valid = pos < MAX_NODES
    pos_c = jnp.where(valid, pos, MAX_NODES)
    dense = jnp.zeros((B, MAX_NODES + 1, x.shape[1]), dtype=x.dtype)
    dense = dense.at[batch, pos_c].set(x)
    return dense[:, :MAX_NODES, :]

if __name__ == "__main__":
    import jax
    _d = setup_inputs()
    print(jax.jit(kernel)(*tuple(_d.values())))

</pallas_src>

<mosaic_0001>
#map = affine_map<(d0, d1) -> (0, 0)>
#map1 = affine_map<(d0, d1) -> (0)>
module attributes {stable_mosaic.version = 14 : i64} {
  func.func @run(%arg0: i32, %arg1: i32, %arg2: memref<32768x128xf32, #tpu.memory_space<hbm>>, %arg3: memref<32768xi32, #tpu.memory_space<hbm>>, %arg4: memref<65536x128xf32, #tpu.memory_space<hbm>>, %arg5: memref<32768xi32, #tpu.memory_space<vmem>>, %arg6: memref<256x128xf32, #tpu.memory_space<vmem>>, %arg7: memref<256x128xf32, #tpu.memory_space<vmem>>, %arg8: memref<12x128xf32, #tpu.memory_space<vmem>>, %arg9: memref<192x128xf32, #tpu.memory_space<vmem_shared>>, %arg10: memref<!tpu.dma_semaphore, #tpu.memory_space<semaphore_mem>>, %arg11: memref<!tpu.dma_semaphore, #tpu.memory_space<semaphore_mem>>, %arg12: memref<!tpu.dma_semaphore, #tpu.memory_space<semaphore_mem>>, %arg13: memref<!tpu.dma_semaphore, #tpu.memory_space<semaphore_mem>>, %arg14: memref<!tpu.dma_semaphore, #tpu.memory_space<semaphore_mem>>, %arg15: memref<!tpu.dma_semaphore, #tpu.memory_space<semaphore_mem>>) attributes {dimension_semantics = [#tpu.dimension_semantics<core_parallel>, #tpu.dimension_semantics<subcore_parallel>], iteration_bounds = array<i64: 2, 16>, scalar_prefetch = 0 : i64, scratch_operands = 11 : i64, tpu.core_type = #tpu.core_type<sc_vector_subcore>, window_params = [{transform_indices = #map}, {transform_indices = #map1}, {transform_indices = #map}]} {
    %mul3A = arith.constant 2 : i32
    %mul3A_0 = arith.muli %arg1, %mul3A : i32
    %add3A = arith.addi %mul3A_0, %arg0 : i32
    %jit3A = arith.constant 2 : i32
    %div3A = arith.divsi %add3A, %jit3A : i32
    %sign3A = arith.constant 0 : i32
    %sign3A_1 = arith.cmpi sgt, %add3A, %sign3A : i32
    %sign3A_2 = arith.extui %sign3A_1 : i1 to i32
    %sign3A_3 = arith.constant 0 : i32
    %sign3A_4 = arith.cmpi slt, %add3A, %sign3A_3 : i32
    %sign3A_5 = arith.extui %sign3A_4 : i1 to i32
    %sign3A_6 = arith.subi %sign3A_2, %sign3A_5 : i32
    %sign3A_7 = arith.constant 0 : i32
    %sign3A_8 = arith.cmpi sgt, %jit3A, %sign3A_7 : i32
    %sign3A_9 = arith.extui %sign3A_8 : i1 to i32
    %sign3A_10 = arith.constant 0 : i32
    %sign3A_11 = arith.cmpi slt, %jit3A, %sign3A_10 : i32
    %sign3A_12 = arith.extui %sign3A_11 : i1 to i32
    %sign3A_13 = arith.subi %sign3A_9, %sign3A_12 : i32
    %ne3A = arith.cmpi ne, %sign3A_6, %sign3A_13 : i32
    %rem3A = arith.remsi %add3A, %jit3A : i32
    %ne3A_14 = arith.constant 0 : i32
    %ne3A_15 = arith.cmpi ne, %rem3A, %ne3A_14 : i32
    %and3A = arith.andi %ne3A, %ne3A_15 : i1
    %sub3A = arith.constant 1 : i32
    %sub3A_16 = arith.subi %div3A, %sub3A : i32
    %select_n3A = arith.select %and3A, %sub3A_16, %div3A : i32
    %add3A_17 = arith.addi %select_n3A, %add3A : i32
    %jit3A_18 = arith.constant 2 : i32
    %eq3A = arith.constant 0 : i32
    %eq3A_19 = arith.cmpi eq, %jit3A_18, %eq3A : i32
    %jit3A_20 = arith.constant 1 : i32
    %select_n3A_21 = arith.select %eq3A_19, %jit3A_20, %jit3A_18 : i32
    %rem3A_22 = arith.remsi %add3A_17, %select_n3A_21 : i32
    %ne3A_23 = arith.constant 0 : i32
    %ne3A_24 = arith.cmpi ne, %rem3A_22, %ne3A_23 : i32
    %lt3A = arith.constant 0 : i32
    %lt3A_25 = arith.cmpi slt, %rem3A_22, %lt3A : i32
    %lt3A_26 = arith.constant 0 : i32
    %lt3A_27 = arith.cmpi slt, %select_n3A_21, %lt3A_26 : i32
    %ne3A_28 = arith.xori %lt3A_25, %lt3A_27 : i1
    %and3A_29 = arith.andi %ne3A_28, %ne3A_24 : i1
    %add3A_30 = arith.addi %rem3A_22, %select_n3A_21 : i32
    %select_n3A_31 = arith.select %and3A_29, %add3A_30, %rem3A_22 : i32
    tpu.enqueue_dma source(%arg3 : memref<32768xi32, #tpu.memory_space<hbm>>) target(%arg5 : memref<32768xi32, #tpu.memory_space<vmem>>) target_semaphore(%arg10 : memref<!tpu.dma_semaphore, #tpu.memory_space<semaphore_mem>>)
    %scan3A = arith.constant 0 : i32
    %scan3A_32 = arith.constant 0 : i32
    %scan3A_33 = arith.constant 12 : i32
    %scan3A_34 = arith.addi %scan3A_32, %scan3A_33 : i32
    %scan3A_35 = arith.constant 1 : i32
    scf.for %scan3A_129 = %scan3A_32 to %scan3A_34 step %scan3A_35  : i32 {
      %broadcast_in_dim3A_130 = arith.constant 0.000000e+00 : f32
      %broadcast_in_dim3A_131 = vector.broadcast %broadcast_in_dim3A_130 : f32 to vector<16xf32>
      %swap3A = arith.index_cast %scan3A_129 : i32 to index
      %swap3A_132 = arith.constant 0 : index
      %swap3A_133 = tpu.vector_load %arg8[%swap3A, %swap3A_132] {strides = array<i32>} : memref<12x128xf32, #tpu.memory_space<vmem>>, vector<16xf32>,
      tpu.vector_store %arg8[%swap3A, %swap3A_132], %broadcast_in_dim3A_131 {strides = array<i32>} : memref<12x128xf32, #tpu.memory_space<vmem>>, vector<16xf32>,
      %broadcast_in_dim3A_134 = arith.constant 0.000000e+00 : f32
      %broadcast_in_dim3A_135 = vector.broadcast %broadcast_in_dim3A_134 : f32 to vector<16xf32>
      %swap3A_136 = arith.index_cast %scan3A_129 : i32 to index
      %swap3A_137 = arith.constant 16 : index
      %swap3A_138 = tpu.vector_load %arg8[%swap3A_136, %swap3A_137] {strides = array<i32>} : memref<12x128xf32, #tpu.memory_space<vmem>>, vector<16xf32>,
      tpu.vector_store %arg8[%swap3A_136, %swap3A_137], %broadcast_in_dim3A_135 {strides = array<i32>} : memref<12x128xf32, #tpu.memory_space<vmem>>, vector<16xf32>,
      %broadcast_in_dim3A_139 = arith.constant 0.000000e+00 : f32
      %broadcast_in_dim3A_140 = vector.broadcast %broadcast_in_dim3A_139 : f32 to vector<16xf32>
      %swap3A_141 = arith.index_cast %scan3A_129 : i32 to index
      %swap3A_142 = arith.constant 32 : index
      %swap3A_143 = tpu.vector_load %arg8[%swap3A_141, %swap3A_142] {strides = array<i32>} : memref<12x128xf32, #tpu.memory_space<vmem>>, vector<16xf32>,
      tpu.vector_store %arg8[%swap3A_141, %swap3A_142], %broadcast_in_dim3A_140 {strides = array<i32>} : memref<12x128xf32, #tpu.memory_space<vmem>>, vector<16xf32>,
      %broadcast_in_dim3A_144 = arith.constant 0.000000e+00 : f32
      %broadcast_in_dim3A_145 = vector.broadcast %broadcast_in_dim3A_144 : f32 to vector<16xf32>
      %swap3A_146 = arith.index_cast %scan3A_129 : i32 to index
      %swap3A_147 = arith.constant 48 : index
      %swap3A_148 = tpu.vector_load %arg8[%swap3A_146, %swap3A_147] {strides = array<i32>} : memref<12x128xf32, #tpu.memory_space<vmem>>, vector<16xf32>,
      tpu.vector_store %arg8[%swap3A_146, %swap3A_147], %broadcast_in_dim3A_145 {strides = array<i32>} : memref<12x128xf32, #tpu.memory_space<vmem>>, vector<16xf32>,
      %broadcast_in_dim3A_149 = arith.constant 0.000000e+00 : f32
      %broadcast_in_dim3A_150 = vector.broadcast %broadcast_in_dim3A_149 : f32 to vector<16xf32>
      %swap3A_151 = arith.index_cast %scan3A_129 : i32 to index
      %swap3A_152 = arith.constant 64 : index
      %swap3A_153 = tpu.vector_load %arg8[%swap3A_151, %swap3A_152] {strides = array<i32>} : memref<12x128xf32, #tpu.memory_space<vmem>>, vector<16xf32>,
      tpu.vector_store %arg8[%swap3A_151, %swap3A_152], %broadcast_in_dim3A_150 {strides = array<i32>} : memref<12x128xf32, #tpu.memory_space<vmem>>, vector<16xf32>,
      %broadcast_in_dim3A_154 = arith.constant 0.000000e+00 : f32
      %broadcast_in_dim3A_155 = vector.broadcast %broadcast_in_dim3A_154 : f32 to vector<16xf32>
      %swap3A_156 = arith.index_cast %scan3A_129 : i32 to index
      %swap3A_157 = arith.constant 80 : index
      %swap3A_158 = tpu.vector_load %arg8[%swap3A_156, %swap3A_157] {strides = array<i32>} : memref<12x128xf32, #tpu.memory_space<vmem>>, vector<16xf32>,
      tpu.vector_store %arg8[%swap3A_156, %swap3A_157], %broadcast_in_dim3A_155 {strides = array<i32>} : memref<12x128xf32, #tpu.memory_space<vmem>>, vector<16xf32>,
      %broadcast_in_dim3A_159 = arith.constant 0.000000e+00 : f32
      %broadcast_in_dim3A_160 = vector.broadcast %broadcast_in_dim3A_159 : f32 to vector<16xf32>
      %swap3A_161 = arith.index_cast %scan3A_129 : i32 to index
      %swap3A_162 = arith.constant 96 : index
      %swap3A_163 = tpu.vector_load %arg8[%swap3A_161, %swap3A_162] {strides = array<i32>} : memref<12x128xf32, #tpu.memory_space<vmem>>, vector<16xf32>,
      tpu.vector_store %arg8[%swap3A_161, %swap3A_162], %broadcast_in_dim3A_160 {strides = array<i32>} : memref<12x128xf32, #tpu.memory_space<vmem>>, vector<16xf32>,
      %broadcast_in_dim3A_164 = arith.constant 0.000000e+00 : f32
      %broadcast_in_dim3A_165 = vector.broadcast %broadcast_in_dim3A_164 : f32 to vector<16xf32>
      %swap3A_166 = arith.index_cast %scan3A_129 : i32 to index
      %swap3A_167 = arith.constant 112 : index
      %swap3A_168 = tpu.vector_load %arg8[%swap3A_166, %swap3A_167] {strides = array<i32>} : memref<12x128xf32, #tpu.memory_space<vmem>>, vector<16xf32>,
      tpu.vector_store %arg8[%swap3A_166, %swap3A_167], %broadcast_in_dim3A_165 {strides = array<i32>} : memref<12x128xf32, #tpu.memory_space<vmem>>, vector<16xf32>,
    }
    %scan3A_36 = arith.constant 12 : i32
    %mul3A_37 = arith.constant 12 : i32
    %mul3A_38 = arith.muli %arg1, %mul3A_37 : i32
    "tpu.region"() ({
      %run_scoped3A = tpu.sem_alloc : memref<!tpu.dma_semaphore, #tpu.memory_space<semaphore_mem>>
      %dma_start3A = arith.constant 0 : i32
      %dma_start3A_129 = tpu.memref_slice %arg9[%mul3A_38, %dma_start3A] : memref<192x128xf32, #tpu.memory_space<vmem_shared>> -> memref<12x128xf32, #tpu.memory_space<vmem_shared>>
      %dma_start3A_130 = arith.constant 0 : i32
      %dma_start3A_131 = tpu.memref_slice %arg9[%mul3A_38, %dma_start3A_130] : memref<192x128xf32, #tpu.memory_space<vmem_shared>> -> memref<12x128xf32, #tpu.memory_space<vmem_shared>>
      tpu.enqueue_dma source(%arg8 : memref<12x128xf32, #tpu.memory_space<vmem>>) target(%dma_start3A_131 : memref<12x128xf32, #tpu.memory_space<vmem_shared>>) target_semaphore(%run_scoped3A : memref<!tpu.dma_semaphore, #tpu.memory_space<semaphore_mem>>)
      %dma_wait3A = arith.constant 0 : i32
      %dma_wait3A_132 = tpu.memref_slice %arg9[%mul3A_38, %dma_wait3A] : memref<192x128xf32, #tpu.memory_space<vmem_shared>> -> memref<12x128xf32, #tpu.memory_space<vmem_shared>>
      %dma_wait3A_133 = arith.constant 0 : i32
      %dma_wait3A_134 = tpu.memref_slice %arg9[%mul3A_38, %dma_wait3A_133] : memref<192x128xf32, #tpu.memory_space<vmem_shared>> -> memref<12x128xf32, #tpu.memory_space<vmem_shared>>
      tpu.wait_dma2 semaphore(%run_scoped3A : memref<!tpu.dma_semaphore, #tpu.memory_space<semaphore_mem>>) src(%arg8 : memref<12x128xf32, #tpu.memory_space<vmem>>) dst(%dma_wait3A_134 : memref<12x128xf32, #tpu.memory_space<vmem_shared>>)
      tpu.yield
    }) : () -> ()
    %barrier3A = arith.constant 0 : index
    tpu.barrier barrier_id(%barrier3A)
    tpu.wait_dma2 semaphore(%arg10 : memref<!tpu.dma_semaphore, #tpu.memory_space<semaphore_mem>>) src(%arg3 : memref<32768xi32, #tpu.memory_space<hbm>>) dst(%arg5 : memref<32768xi32, #tpu.memory_space<vmem>>)
    %scan3A_39 = arith.constant 0 : i32
    %scan3A_40 = arith.constant 2048 : i32
    %scan3A_41 = arith.constant 0 : i32
    %scan3A_42 = arith.constant 11 : i32
    %scan3A_43 = arith.addi %scan3A_41, %scan3A_42 : i32
    %scan3A_44 = arith.constant 1 : i32
    %scan3A_45:2 = scf.for %scan3A_129 = %scan3A_41 to %scan3A_43 step %scan3A_44 iter_args(%scan3A_130 = %scan3A_39, %scan3A_131 = %scan3A_40) -> (i32, i32)  : i32 {
      %add3A_132 = arith.addi %scan3A_130, %scan3A_131 : i32
      %jit3A_133 = arith.constant 2 : i32
      %div3A_134 = arith.divsi %add3A_132, %jit3A_133 : i32
      %sign3A_135 = arith.constant 0 : i32
      %sign3A_136 = arith.cmpi sgt, %add3A_132, %sign3A_135 : i32
      %sign3A_137 = arith.extui %sign3A_136 : i1 to i32
      %sign3A_138 = arith.constant 0 : i32
      %sign3A_139 = arith.cmpi slt, %add3A_132, %sign3A_138 : i32
      %sign3A_140 = arith.extui %sign3A_139 : i1 to i32
      %sign3A_141 = arith.subi %sign3A_137, %sign3A_140 : i32
      %sign3A_142 = arith.constant 0 : i32
      %sign3A_143 = arith.cmpi sgt, %jit3A_133, %sign3A_142 : i32
      %sign3A_144 = arith.extui %sign3A_143 : i1 to i32
      %sign3A_145 = arith.constant 0 : i32
      %sign3A_146 = arith.cmpi slt, %jit3A_133, %sign3A_145 : i32
      %sign3A_147 = arith.extui %sign3A_146 : i1 to i32
      %sign3A_148 = arith.subi %sign3A_144, %sign3A_147 : i32
      %ne3A_149 = arith.cmpi ne, %sign3A_141, %sign3A_148 : i32
      %rem3A_150 = arith.remsi %add3A_132, %jit3A_133 : i32
      %ne3A_151 = arith.constant 0 : i32
      %ne3A_152 = arith.cmpi ne, %rem3A_150, %ne3A_151 : i32
      %and3A_153 = arith.andi %ne3A_149, %ne3A_152 : i1
      %sub3A_154 = arith.constant 1 : i32
      %sub3A_155 = arith.subi %div3A_134, %sub3A_154 : i32
      %select_n3A_156 = arith.select %and3A_153, %sub3A_155, %div3A_134 : i32
      %mul3A_157 = arith.constant 16 : i32
      %mul3A_158 = arith.muli %select_n3A_156, %mul3A_157 : i32
      %get3A_159 = arith.index_cast %mul3A_158 : i32 to index
      %get3A_160 = tpu.vector_load %arg5[%get3A_159] {strides = array<i32>} : memref<32768xi32, #tpu.memory_space<vmem>>, vector<16xi32>,
      %slice3A = vector.extract_strided_slice %get3A_160 {offsets = [0], sizes = [1], strides = [1]} : vector<16xi32> to vector<1xi32>
      %squeeze3A = vector.extract %slice3A[0] : i32 from vector<1xi32>
      %lt3A_161 = arith.cmpi slt, %squeeze3A, %select_n3A : i32
      %add3A_162 = arith.constant 1 : i32
      %add3A_163 = arith.addi %select_n3A_156, %add3A_162 : i32
      %select_n3A_164 = arith.select %lt3A_161, %add3A_163, %scan3A_130 : i32
      %select_n3A_165 = arith.select %lt3A_161, %scan3A_131, %select_n3A_156 : i32
      scf.yield %select_n3A_164, %select_n3A_165 : i32, i32
    }
    %scan3A_46 = arith.constant 11 : i32
    %sub3A_47 = arith.constant 1 : i32
    %sub3A_48 = arith.subi %scan3A_45#0, %sub3A_47 : i32
    %max3A = arith.constant 0 : i32
    %max3A_49 = arith.maxsi %sub3A_48, %max3A : i32
    %mul3A_50 = arith.constant 16 : i32
    %mul3A_51 = arith.muli %max3A_49, %mul3A_50 : i32
    %get3A = arith.index_cast %mul3A_51 : i32 to index
    %get3A_52 = tpu.vector_load %arg5[%get3A] {strides = array<i32>} : memref<32768xi32, #tpu.memory_space<vmem>>, vector<16xi32>,
    %lt3A_53 = vector.broadcast %select_n3A : i32 to vector<16xi32>
    %lt3A_54 = arith.cmpi slt, %get3A_52, %lt3A_53 : vector<16xi32>
    %jit3A_55 = arith.constant 1 : i32
    %jit3A_56 = arith.constant 0 : i32
    %broadcast_in_dim3A = vector.broadcast %jit3A_55 : i32 to vector<16xi32>
    %broadcast_in_dim3A_57 = vector.broadcast %jit3A_56 : i32 to vector<16xi32>
    %select_n3A_58 = arith.select %lt3A_54, %broadcast_in_dim3A, %broadcast_in_dim3A_57 : vector<16xi1>, vector<16xi32>
    %reduce_sum3A = arith.constant true
    %reduce_sum3A_59 = vector.broadcast %reduce_sum3A : i1 to vector<16xi1>
    %reduce_sum3A_60 = tpu.scan <sum>, %select_n3A_58 masked %reduce_sum3A_59 : vector<16xi32>, vector<16xi1> -> vector<16xi32>
    %reduce_sum3A_61 = vector.extract %reduce_sum3A_60[15] : i32 from vector<16xi32>
    %eq3A_62 = arith.constant 0 : i32
    %eq3A_63 = arith.cmpi eq, %scan3A_45#0, %eq3A_62 : i32
    %mul3A_64 = arith.constant 16 : i32
    %mul3A_65 = arith.muli %max3A_49, %mul3A_64 : i32
    %add3A_66 = arith.addi %mul3A_65, %reduce_sum3A_61 : i32
    %jit3A_67 = arith.constant 0 : i32
    %select_n3A_68 = arith.select %eq3A_63, %jit3A_67, %add3A_66 : i32
    %add3A_69 = arith.constant 1 : i32
    %add3A_70 = arith.addi %select_n3A, %add3A_69 : i32
    %scan3A_71 = arith.constant 0 : i32
    %scan3A_72 = arith.constant 2048 : i32
    %scan3A_73 = arith.constant 0 : i32
    %scan3A_74 = arith.constant 11 : i32
    %scan3A_75 = arith.addi %scan3A_73, %scan3A_74 : i32
    %scan3A_76 = arith.constant 1 : i32
    %scan3A_77:2 = scf.for %scan3A_129 = %scan3A_73 to %scan3A_75 step %scan3A_76 iter_args(%scan3A_130 = %scan3A_71, %scan3A_131 = %scan3A_72) -> (i32, i32)  : i32 {
      %add3A_132 = arith.addi %scan3A_130, %scan3A_131 : i32
      %jit3A_133 = arith.constant 2 : i32
      %div3A_134 = arith.divsi %add3A_132, %jit3A_133 : i32
      %sign3A_135 = arith.constant 0 : i32
      %sign3A_136 = arith.cmpi sgt, %add3A_132, %sign3A_135 : i32
      %sign3A_137 = arith.extui %sign3A_136 : i1 to i32
      %sign3A_138 = arith.constant 0 : i32
      %sign3A_139 = arith.cmpi slt, %add3A_132, %sign3A_138 : i32
      %sign3A_140 = arith.extui %sign3A_139 : i1 to i32
      %sign3A_141 = arith.subi %sign3A_137, %sign3A_140 : i32
      %sign3A_142 = arith.constant 0 : i32
      %sign3A_143 = arith.cmpi sgt, %jit3A_133, %sign3A_142 : i32
      %sign3A_144 = arith.extui %sign3A_143 : i1 to i32
      %sign3A_145 = arith.constant 0 : i32
      %sign3A_146 = arith.cmpi slt, %jit3A_133, %sign3A_145 : i32
      %sign3A_147 = arith.extui %sign3A_146 : i1 to i32
      %sign3A_148 = arith.subi %sign3A_144, %sign3A_147 : i32
      %ne3A_149 = arith.cmpi ne, %sign3A_141, %sign3A_148 : i32
      %rem3A_150 = arith.remsi %add3A_132, %jit3A_133 : i32
      %ne3A_151 = arith.constant 0 : i32
      %ne3A_152 = arith.cmpi ne, %rem3A_150, %ne3A_151 : i32
      %and3A_153 = arith.andi %ne3A_149, %ne3A_152 : i1
      %sub3A_154 = arith.constant 1 : i32
      %sub3A_155 = arith.subi %div3A_134, %sub3A_154 : i32
      %select_n3A_156 = arith.select %and3A_153, %sub3A_155, %div3A_134 : i32
      %mul3A_157 = arith.constant 16 : i32
      %mul3A_158 = arith.muli %select_n3A_156, %mul3A_157 : i32
      %get3A_159 = arith.index_cast %mul3A_158 : i32 to index
      %get3A_160 = tpu.vector_load %arg5[%get3A_159] {strides = array<i32>} : memref<32768xi32, #tpu.memory_space<vmem>>, vector<16xi32>,
      %slice3A = vector.extract_strided_slice %get3A_160 {offsets = [0], sizes = [1], strides = [1]} : vector<16xi32> to vector<1xi32>
      %squeeze3A = vector.extract %slice3A[0] : i32 from vector<1xi32>
      %lt3A_161 = arith.cmpi slt, %squeeze3A, %add3A_70 : i32
      %add3A_162 = arith.constant 1 : i32
      %add3A_163 = arith.addi %select_n3A_156, %add3A_162 : i32
      %select_n3A_164 = arith.select %lt3A_161, %add3A_163, %scan3A_130 : i32
      %select_n3A_165 = arith.select %lt3A_161, %scan3A_131, %select_n3A_156 : i32
      scf.yield %select_n3A_164, %select_n3A_165 : i32, i32
    }
    %scan3A_78 = arith.constant 11 : i32
    %sub3A_79 = arith.constant 1 : i32
    %sub3A_80 = arith.subi %scan3A_77#0, %sub3A_79 : i32
    %max3A_81 = arith.constant 0 : i32
    %max3A_82 = arith.maxsi %sub3A_80, %max3A_81 : i32
    %mul3A_83 = arith.constant 16 : i32
    %mul3A_84 = arith.muli %max3A_82, %mul3A_83 : i32
    %get3A_85 = arith.index_cast %mul3A_84 : i32 to index
    %get3A_86 = tpu.vector_load %arg5[%get3A_85] {strides = array<i32>} : memref<32768xi32, #tpu.memory_space<vmem>>, vector<16xi32>,
    %lt3A_87 = vector.broadcast %add3A_70 : i32 to vector<16xi32>
    %lt3A_88 = arith.cmpi slt, %get3A_86, %lt3A_87 : vector<16xi32>
    %jit3A_89 = arith.constant 1 : i32
    %jit3A_90 = arith.constant 0 : i32
    %broadcast_in_dim3A_91 = vector.broadcast %jit3A_89 : i32 to vector<16xi32>
    %broadcast_in_dim3A_92 = vector.broadcast %jit3A_90 : i32 to vector<16xi32>
    %select_n3A_93 = arith.select %lt3A_88, %broadcast_in_dim3A_91, %broadcast_in_dim3A_92 : vector<16xi1>, vector<16xi32>
    %reduce_sum3A_94 = arith.constant true
    %reduce_sum3A_95 = vector.broadcast %reduce_sum3A_94 : i1 to vector<16xi1>
    %reduce_sum3A_96 = tpu.scan <sum>, %select_n3A_93 masked %reduce_sum3A_95 : vector<16xi32>, vector<16xi1> -> vector<16xi32>
    %reduce_sum3A_97 = vector.extract %reduce_sum3A_96[15] : i32 from vector<16xi32>
    %eq3A_98 = arith.constant 0 : i32
    %eq3A_99 = arith.cmpi eq, %scan3A_77#0, %eq3A_98 : i32
    %mul3A_100 = arith.constant 16 : i32
    %mul3A_101 = arith.muli %max3A_82, %mul3A_100 : i32
    %add3A_102 = arith.addi %mul3A_101, %reduce_sum3A_97 : i32
    %jit3A_103 = arith.constant 0 : i32
    %select_n3A_104 = arith.select %eq3A_99, %jit3A_103, %add3A_102 : i32
    %sub3A_105 = arith.subi %select_n3A_104, %select_n3A_68 : i32
    %min3A = arith.constant 4096 : i32
    %min3A_106 = arith.minsi %sub3A_105, %min3A : i32
    %scan3A_107 = arith.constant 0 : i32
    %scan3A_108 = arith.constant 0 : i32
    %scan3A_109 = arith.constant 2 : i32
    %scan3A_110 = arith.addi %scan3A_108, %scan3A_109 : i32
    %scan3A_111 = arith.constant 1 : i32
    %scan3A_112 = scf.for %scan3A_129 = %scan3A_108 to %scan3A_110 step %scan3A_111 iter_args(%scan3A_130 = %scan3A_107) -> (i32)  : i32 {
      %mul3A_131 = arith.constant 2 : i32
      %mul3A_132 = arith.muli %mul3A_131, %select_n3A_31 : i32
      %sub3A_133 = arith.constant 3 : i32
      %sub3A_134 = arith.subi %sub3A_133, %mul3A_132 : i32
      %mul3A_135 = arith.muli %scan3A_129, %sub3A_134 : i32
      %add3A_136 = arith.addi %select_n3A_31, %mul3A_135 : i32
      %mul3A_137 = arith.constant 1024 : i32
      %mul3A_138 = arith.muli %add3A_136, %mul3A_137 : i32
      %sub3A_139 = arith.subi %min3A_106, %mul3A_138 : i32
      %jit3A_140 = arith.constant 0 : i32
      %jit3A_141 = arith.constant 1024 : i32
      %max3A_142 = arith.maxsi %jit3A_140, %sub3A_139 : i32
      %min3A_143 = arith.minsi %jit3A_141, %max3A_142 : i32
      %add3A_144 = arith.addi %select_n3A_68, %mul3A_138 : i32
      %mul3A_145 = arith.constant 4096 : i32
      %mul3A_146 = arith.muli %select_n3A, %mul3A_145 : i32
      %add3A_147 = arith.addi %mul3A_146, %mul3A_138 : i32
      %sub3A_148 = arith.constant 1024 : i32
      %sub3A_149 = arith.subi %sub3A_148, %min3A_143 : i32
      %add3A_150 = arith.addi %add3A_147, %min3A_143 : i32
      %jit3A_151 = arith.constant 192 : i32
      %div3A_152 = arith.divsi %sub3A_149, %jit3A_151 : i32
      %sign3A_153 = arith.constant 0 : i32
      %sign3A_154 = arith.cmpi sgt, %sub3A_149, %sign3A_153 : i32
      %sign3A_155 = arith.extui %sign3A_154 : i1 to i32
      %sign3A_156 = arith.constant 0 : i32
      %sign3A_157 = arith.cmpi slt, %sub3A_149, %sign3A_156 : i32
      %sign3A_158 = arith.extui %sign3A_157 : i1 to i32
      %sign3A_159 = arith.subi %sign3A_155, %sign3A_158 : i32
      %sign3A_160 = arith.constant 0 : i32
      %sign3A_161 = arith.cmpi sgt, %jit3A_151, %sign3A_160 : i32
      %sign3A_162 = arith.extui %sign3A_161 : i1 to i32
      %sign3A_163 = arith.constant 0 : i32
      %sign3A_164 = arith.cmpi slt, %jit3A_151, %sign3A_163 : i32
      %sign3A_165 = arith.extui %sign3A_164 : i1 to i32
      %sign3A_166 = arith.subi %sign3A_162, %sign3A_165 : i32
      %ne3A_167 = arith.cmpi ne, %sign3A_159, %sign3A_166 : i32
      %rem3A_168 = arith.remsi %sub3A_149, %jit3A_151 : i32
      %ne3A_169 = arith.constant 0 : i32
      %ne3A_170 = arith.cmpi ne, %rem3A_168, %ne3A_169 : i32
      %and3A_171 = arith.andi %ne3A_167, %ne3A_170 : i1
      %sub3A_172 = arith.constant 1 : i32
      %sub3A_173 = arith.subi %div3A_152, %sub3A_172 : i32
      %select_n3A_174 = arith.select %and3A_171, %sub3A_173, %div3A_152 : i32
      %while3A_175 = arith.constant 0 : i32
      %while3A_176 = arith.constant 0 : i32
      %while3A_177 = arith.subi %select_n3A_174, %while3A_176 : i32
      %while3A_178 = arith.addi %while3A_176, %while3A_177 : i32
      %while3A_179 = arith.constant 1 : i32
      %while3A_180 = arith.divsi %while3A_177, %while3A_179 : i32
      %while3A_181 = arith.muli %while3A_180, %while3A_179 : i32
      %while3A_182 = arith.addi %while3A_176, %while3A_181 : i32
      %while3A_183 = arith.constant 1 : i32
      scf.for %while3A_186 = %while3A_176 to %while3A_182 step %while3A_183  : i32 {
        %mul3A_187 = arith.constant 192 : i32
        %mul3A_188 = arith.muli %while3A_186, %mul3A_187 : i32
        %add3A_189 = arith.addi %add3A_150, %mul3A_188 : i32
        %dma_start3A = arith.constant 0 : i32
        %dma_start3A_190 = tpu.memref_slice %arg4[%add3A_189, %dma_start3A] : memref<65536x128xf32, #tpu.memory_space<hbm>> -> memref<192x128xf32, #tpu.memory_space<hbm>>
        tpu.enqueue_dma source(%arg9 : memref<192x128xf32, #tpu.memory_space<vmem_shared>>) target(%dma_start3A_190 : memref<192x128xf32, #tpu.memory_space<hbm>>) target_semaphore(%arg15 : memref<!tpu.dma_semaphore, #tpu.memory_space<semaphore_mem>>)
      }
      %while3A_184 = arith.constant 1 : i32
      scf.for %while3A_186 = %while3A_182 to %while3A_178 step %while3A_184  : i32 {
        %mul3A_187 = arith.constant 192 : i32
        %mul3A_188 = arith.muli %while3A_186, %mul3A_187 : i32
        %add3A_189 = arith.addi %add3A_150, %mul3A_188 : i32
        %dma_start3A = arith.constant 0 : i32
        %dma_start3A_190 = tpu.memref_slice %arg4[%add3A_189, %dma_start3A] : memref<65536x128xf32, #tpu.memory_space<hbm>> -> memref<192x128xf32, #tpu.memory_space<hbm>>
        tpu.enqueue_dma source(%arg9 : memref<192x128xf32, #tpu.memory_space<vmem_shared>>) target(%dma_start3A_190 : memref<192x128xf32, #tpu.memory_space<hbm>>) target_semaphore(%arg15 : memref<!tpu.dma_semaphore, #tpu.memory_space<semaphore_mem>>)
      }
      %add3A_185 = arith.addi %scan3A_130, %select_n3A_174 : i32
      scf.yield %add3A_185 : i32
    }
    %scan3A_113 = arith.constant 2 : i32
    %scan3A_114 = arith.constant 0 : i32
    %scan3A_115 = arith.constant 0 : i32
    %scan3A_116 = arith.constant 2 : i32
    %scan3A_117 = arith.addi %scan3A_115, %scan3A_116 : i32
    %scan3A_118 = arith.constant 1 : i32
    scf.for %scan3A_129 = %scan3A_115 to %scan3A_117 step %scan3A_118  : i32 {
      %mul3A_130 = arith.constant 2 : i32
      %mul3A_131 = arith.muli %mul3A_130, %select_n3A_31 : i32
      %sub3A_132 = arith.constant 3 : i32
      %sub3A_133 = arith.subi %sub3A_132, %mul3A_131 : i32
      %mul3A_134 = arith.muli %scan3A_129, %sub3A_133 : i32
      %add3A_135 = arith.addi %select_n3A_31, %mul3A_134 : i32
      %mul3A_136 = arith.constant 1024 : i32
      %mul3A_137 = arith.muli %add3A_135, %mul3A_136 : i32
      %sub3A_138 = arith.subi %min3A_106, %mul3A_137 : i32
      %jit3A_139 = arith.constant 0 : i32
      %jit3A_140 = arith.constant 1024 : i32
      %max3A_141 = arith.maxsi %jit3A_139, %sub3A_138 : i32
      %min3A_142 = arith.minsi %jit3A_140, %max3A_141 : i32
      %add3A_143 = arith.addi %select_n3A_68, %mul3A_137 : i32
      %mul3A_144 = arith.constant 4096 : i32
      %mul3A_145 = arith.muli %select_n3A, %mul3A_144 : i32
      %add3A_146 = arith.addi %mul3A_145, %mul3A_137 : i32
      %jit3A_147 = arith.constant 256 : i32
      %div3A_148 = arith.divsi %min3A_142, %jit3A_147 : i32
      %sign3A_149 = arith.constant 0 : i32
      %sign3A_150 = arith.cmpi sgt, %min3A_142, %sign3A_149 : i32
      %sign3A_151 = arith.extui %sign3A_150 : i1 to i32
      %sign3A_152 = arith.constant 0 : i32
      %sign3A_153 = arith.cmpi slt, %min3A_142, %sign3A_152 : i32
      %sign3A_154 = arith.extui %sign3A_153 : i1 to i32
      %sign3A_155 = arith.subi %sign3A_151, %sign3A_154 : i32
      %sign3A_156 = arith.constant 0 : i32
      %sign3A_157 = arith.cmpi sgt, %jit3A_147, %sign3A_156 : i32
      %sign3A_158 = arith.extui %sign3A_157 : i1 to i32
      %sign3A_159 = arith.constant 0 : i32
      %sign3A_160 = arith.cmpi slt, %jit3A_147, %sign3A_159 : i32
      %sign3A_161 = arith.extui %sign3A_160 : i1 to i32
      %sign3A_162 = arith.subi %sign3A_158, %sign3A_161 : i32
      %ne3A_163 = arith.cmpi ne, %sign3A_155, %sign3A_162 : i32
      %rem3A_164 = arith.remsi %min3A_142, %jit3A_147 : i32
      %ne3A_165 = arith.constant 0 : i32
      %ne3A_166 = arith.cmpi ne, %rem3A_164, %ne3A_165 : i32
      %and3A_167 = arith.andi %ne3A_163, %ne3A_166 : i1
      %sub3A_168 = arith.constant 1 : i32
      %sub3A_169 = arith.subi %div3A_148, %sub3A_168 : i32
      %select_n3A_170 = arith.select %and3A_167, %sub3A_169, %div3A_148 : i32
      %add3A_171 = arith.constant 2 : i32
      %add3A_172 = arith.addi %select_n3A_170, %add3A_171 : i32
      %jit3A_173 = arith.constant 2 : i32
      %div3A_174 = arith.divsi %add3A_172, %jit3A_173 : i32
      %sign3A_175 = arith.constant 0 : i32
      %sign3A_176 = arith.cmpi sgt, %add3A_172, %sign3A_175 : i32
      %sign3A_177 = arith.extui %sign3A_176 : i1 to i32
      %sign3A_178 = arith.constant 0 : i32
      %sign3A_179 = arith.cmpi slt, %add3A_172, %sign3A_178 : i32
      %sign3A_180 = arith.extui %sign3A_179 : i1 to i32
      %sign3A_181 = arith.subi %sign3A_177, %sign3A_180 : i32
      %sign3A_182 = arith.constant 0 : i32
      %sign3A_183 = arith.cmpi sgt, %jit3A_173, %sign3A_182 : i32
      %sign3A_184 = arith.extui %sign3A_183 : i1 to i32
      %sign3A_185 = arith.constant 0 : i32
      %sign3A_186 = arith.cmpi slt, %jit3A_173, %sign3A_185 : i32
      %sign3A_187 = arith.extui %sign3A_186 : i1 to i32
      %sign3A_188 = arith.subi %sign3A_184, %sign3A_187 : i32
      %ne3A_189 = arith.cmpi ne, %sign3A_181, %sign3A_188 : i32
      %rem3A_190 = arith.remsi %add3A_172, %jit3A_173 : i32
      %ne3A_191 = arith.constant 0 : i32
      %ne3A_192 = arith.cmpi ne, %rem3A_190, %ne3A_191 : i32
      %and3A_193 = arith.andi %ne3A_189, %ne3A_192 : i1
      %sub3A_194 = arith.constant 1 : i32
      %sub3A_195 = arith.subi %div3A_174, %sub3A_194 : i32
      %select_n3A_196 = arith.select %and3A_193, %sub3A_195, %div3A_174 : i32
      %while3A_197 = arith.constant 0 : i32
      %while3A_198 = arith.constant 0 : i32
      %while3A_199 = arith.subi %select_n3A_196, %while3A_198 : i32
      %while3A_200 = arith.addi %while3A_198, %while3A_199 : i32
      %while3A_201 = arith.constant 1 : i32
      %while3A_202 = arith.divsi %while3A_199, %while3A_201 : i32
      %while3A_203 = arith.muli %while3A_202, %while3A_201 : i32
      %while3A_204 = arith.addi %while3A_198, %while3A_203 : i32
      %while3A_205 = arith.constant 1 : i32
      scf.for %while3A_340 = %while3A_198 to %while3A_204 step %while3A_205  : i32 {
        %mul3A_341 = arith.constant 2 : i32
        %mul3A_342 = arith.muli %mul3A_341, %while3A_340 : i32
        %add3A_343 = arith.constant 0 : i32
        %add3A_344 = arith.addi %mul3A_342, %add3A_343 : i32
        %ge3A_345 = arith.constant 2 : i32
        %ge3A_346 = arith.cmpi sge, %add3A_344, %ge3A_345 : i32
        %lt3A_347 = arith.cmpi slt, %add3A_344, %select_n3A_170 : i32
        %and3A_348 = arith.andi %ge3A_346, %lt3A_347 : i1
        %convert_element_type3A_349 = arith.extui %and3A_348 : i1 to i32
        %cond3A_350 = arith.constant 0 : i32
        %cond3A_351 = arith.cmpi ne, %convert_element_type3A_349, %cond3A_350 : i32
        scf.if %cond3A_351 {
          %dma_wait3A = arith.constant 0 : i32
          %dma_wait3A_389 = tpu.memref_slice %arg4[%add3A_146, %dma_wait3A] : memref<65536x128xf32, #tpu.memory_space<hbm>> -> memref<256x128xf32, #tpu.memory_space<hbm>>
          %dma_wait3A_390 = arith.constant 0 : i32
          %dma_wait3A_391 = tpu.memref_slice %arg4[%add3A_146, %dma_wait3A_390] : memref<65536x128xf32, #tpu.memory_space<hbm>> -> memref<256x128xf32, #tpu.memory_space<hbm>>
          tpu.wait_dma2 semaphore(%arg13 : memref<!tpu.dma_semaphore, #tpu.memory_space<semaphore_mem>>) src(%arg6 : memref<256x128xf32, #tpu.memory_space<vmem>>) dst(%dma_wait3A_391 : memref<256x128xf32, #tpu.memory_space<hbm>>)
        } else {
        }
        %lt3A_352 = arith.cmpi slt, %add3A_344, %select_n3A_170 : i32
        %convert_element_type3A_353 = arith.extui %lt3A_352 : i1 to i32
        %cond3A_354 = arith.constant 0 : i32
        %cond3A_355 = arith.cmpi ne, %convert_element_type3A_353, %cond3A_354 : i32
        scf.if %cond3A_355 {
          %mul3A_389 = arith.constant 256 : i32
          %mul3A_390 = arith.muli %add3A_344, %mul3A_389 : i32
          %add3A_391 = arith.addi %add3A_143, %mul3A_390 : i32
          %dma_start3A = arith.constant 0 : i32
          %dma_start3A_392 = tpu.memref_slice %arg2[%add3A_391, %dma_start3A] : memref<32768x128xf32, #tpu.memory_space<hbm>> -> memref<256x128xf32, #tpu.memory_space<hbm>>
          %dma_start3A_393 = arith.constant 0 : i32
          %dma_start3A_394 = tpu.memref_slice %arg2[%add3A_391, %dma_start3A_393] : memref<32768x128xf32, #tpu.memory_space<hbm>> -> memref<256x128xf32, #tpu.memory_space<hbm>>
          tpu.enqueue_dma source(%dma_start3A_394 : memref<256x128xf32, #tpu.memory_space<hbm>>) target(%arg6 : memref<256x128xf32, #tpu.memory_space<vmem>>) target_semaphore(%arg11 : memref<!tpu.dma_semaphore, #tpu.memory_space<semaphore_mem>>)
        } else {
        }
        %sub3A_356 = arith.constant 1 : i32
        %sub3A_357 = arith.subi %add3A_344, %sub3A_356 : i32
        %ge3A_358 = arith.constant 0 : i32
        %ge3A_359 = arith.cmpi sge, %sub3A_357, %ge3A_358 : i32
        %lt3A_360 = arith.cmpi slt, %sub3A_357, %select_n3A_170 : i32
        %and3A_361 = arith.andi %ge3A_359, %lt3A_360 : i1
        %convert_element_type3A_362 = arith.extui %and3A_361 : i1 to i32
        %cond3A_363 = arith.constant 0 : i32
        %cond3A_364 = arith.cmpi ne, %convert_element_type3A_362, %cond3A_363 : i32
        scf.if %cond3A_364 {
          %dma_wait3A = arith.constant 0 : i32
          %dma_wait3A_389 = tpu.memref_slice %arg2[%add3A_143, %dma_wait3A] : memref<32768x128xf32, #tpu.memory_space<hbm>> -> memref<256x128xf32, #tpu.memory_space<hbm>>
          %dma_wait3A_390 = arith.constant 0 : i32
          %dma_wait3A_391 = tpu.memref_slice %arg2[%add3A_143, %dma_wait3A_390] : memref<32768x128xf32, #tpu.memory_space<hbm>> -> memref<256x128xf32, #tpu.memory_space<hbm>>
          tpu.wait_dma2 semaphore(%arg12 : memref<!tpu.dma_semaphore, #tpu.memory_space<semaphore_mem>>) src(%dma_wait3A_391 : memref<256x128xf32, #tpu.memory_space<hbm>>) dst(%arg7 : memref<256x128xf32, #tpu.memory_space<vmem>>)
          %mul3A_392 = arith.constant 256 : i32
          %mul3A_393 = arith.muli %sub3A_357, %mul3A_392 : i32
          %add3A_394 = arith.addi %add3A_146, %mul3A_393 : i32
          %dma_start3A = arith.constant 0 : i32
          %dma_start3A_395 = tpu.memref_slice %arg4[%add3A_394, %dma_start3A] : memref<65536x128xf32, #tpu.memory_space<hbm>> -> memref<256x128xf32, #tpu.memory_space<hbm>>
          %dma_start3A_396 = arith.constant 0 : i32
          %dma_start3A_397 = tpu.memref_slice %arg4[%add3A_394, %dma_start3A_396] : memref<65536x128xf32, #tpu.memory_space<hbm>> -> memref<256x128xf32, #tpu.memory_space<hbm>>
          tpu.enqueue_dma source(%arg7 : memref<256x128xf32, #tpu.memory_space<vmem>>) target(%dma_start3A_397 : memref<256x128xf32, #tpu.memory_space<hbm>>) target_semaphore(%arg14 : memref<!tpu.dma_semaphore, #tpu.memory_space<semaphore_mem>>)
        } else {
        }
        %mul3A_365 = arith.constant 2 : i32
        %mul3A_366 = arith.muli %mul3A_365, %while3A_340 : i32
        %add3A_367 = arith.constant 1 : i32
        %add3A_368 = arith.addi %mul3A_366, %add3A_367 : i32
        %ge3A_369 = arith.constant 2 : i32
        %ge3A_370 = arith.cmpi sge, %add3A_368, %ge3A_369 : i32
        %lt3A_371 = arith.cmpi slt, %add3A_368, %select_n3A_170 : i32
        %and3A_372 = arith.andi %ge3A_370, %lt3A_371 : i1
        %convert_element_type3A_373 = arith.extui %and3A_372 : i1 to i32
        %cond3A_374 = arith.constant 0 : i32
        %cond3A_375 = arith.cmpi ne, %convert_element_type3A_373, %cond3A_374 : i32
        scf.if %cond3A_375 {
          %dma_wait3A = arith.constant 0 : i32
          %dma_wait3A_389 = tpu.memref_slice %arg4[%add3A_146, %dma_wait3A] : memref<65536x128xf32, #tpu.memory_space<hbm>> -> memref<256x128xf32, #tpu.memory_space<hbm>>
          %dma_wait3A_390 = arith.constant 0 : i32
          %dma_wait3A_391 = tpu.memref_slice %arg4[%add3A_146, %dma_wait3A_390] : memref<65536x128xf32, #tpu.memory_space<hbm>> -> memref<256x128xf32, #tpu.memory_space<hbm>>
          tpu.wait_dma2 semaphore(%arg14 : memref<!tpu.dma_semaphore, #tpu.memory_space<semaphore_mem>>) src(%arg7 : memref<256x128xf32, #tpu.memory_space<vmem>>) dst(%dma_wait3A_391 : memref<256x128xf32, #tpu.memory_space<hbm>>)
        } else {
        }
        %lt3A_376 = arith.cmpi slt, %add3A_368, %select_n3A_170 : i32
        %convert_element_type3A_377 = arith.extui %lt3A_376 : i1 to i32
        %cond3A_378 = arith.constant 0 : i32
        %cond3A_379 = arith.cmpi ne, %convert_element_type3A_377, %cond3A_378 : i32
        scf.if %cond3A_379 {
          %mul3A_389 = arith.constant 256 : i32
          %mul3A_390 = arith.muli %add3A_368, %mul3A_389 : i32
          %add3A_391 = arith.addi %add3A_143, %mul3A_390 : i32
          %dma_start3A = arith.constant 0 : i32
          %dma_start3A_392 = tpu.memref_slice %arg2[%add3A_391, %dma_start3A] : memref<32768x128xf32, #tpu.memory_space<hbm>> -> memref<256x128xf32, #tpu.memory_space<hbm>>
          %dma_start3A_393 = arith.constant 0 : i32
          %dma_start3A_394 = tpu.memref_slice %arg2[%add3A_391, %dma_start3A_393] : memref<32768x128xf32, #tpu.memory_space<hbm>> -> memref<256x128xf32, #tpu.memory_space<hbm>>
          tpu.enqueue_dma source(%dma_start3A_394 : memref<256x128xf32, #tpu.memory_space<hbm>>) target(%arg7 : memref<256x128xf32, #tpu.memory_space<vmem>>) target_semaphore(%arg12 : memref<!tpu.dma_semaphore, #tpu.memory_space<semaphore_mem>>)
        } else {
        }
        %sub3A_380 = arith.constant 1 : i32
        %sub3A_381 = arith.subi %add3A_368, %sub3A_380 : i32
        %ge3A_382 = arith.constant 0 : i32
        %ge3A_383 = arith.cmpi sge, %sub3A_381, %ge3A_382 : i32
        %lt3A_384 = arith.cmpi slt, %sub3A_381, %select_n3A_170 : i32
        %and3A_385 = arith.andi %ge3A_383, %lt3A_384 : i1
        %convert_element_type3A_386 = arith.extui %and3A_385 : i1 to i32
        %cond3A_387 = arith.constant 0 : i32
        %cond3A_388 = arith.cmpi ne, %convert_element_type3A_386, %cond3A_387 : i32
        scf.if %cond3A_388 {
          %dma_wait3A = arith.constant 0 : i32
          %dma_wait3A_389 = tpu.memref_slice %arg2[%add3A_143, %dma_wait3A] : memref<32768x128xf32, #tpu.memory_space<hbm>> -> memref<256x128xf32, #tpu.memory_space<hbm>>
          %dma_wait3A_390 = arith.constant 0 : i32
          %dma_wait3A_391 = tpu.memref_slice %arg2[%add3A_143, %dma_wait3A_390] : memref<32768x128xf32, #tpu.memory_space<hbm>> -> memref<256x128xf32, #tpu.memory_space<hbm>>
          tpu.wait_dma2 semaphore(%arg11 : memref<!tpu.dma_semaphore, #tpu.memory_space<semaphore_mem>>) src(%dma_wait3A_391 : memref<256x128xf32, #tpu.memory_space<hbm>>) dst(%arg6 : memref<256x128xf32, #tpu.memory_space<vmem>>)
          %mul3A_392 = arith.constant 256 : i32
          %mul3A_393 = arith.muli %sub3A_381, %mul3A_392 : i32
          %add3A_394 = arith.addi %add3A_146, %mul3A_393 : i32
          %dma_start3A = arith.constant 0 : i32
          %dma_start3A_395 = tpu.memref_slice %arg4[%add3A_394, %dma_start3A] : memref<65536x128xf32, #tpu.memory_space<hbm>> -> memref<256x128xf32, #tpu.memory_space<hbm>>
          %dma_start3A_396 = arith.constant 0 : i32
          %dma_start3A_397 = tpu.memref_slice %arg4[%add3A_394, %dma_start3A_396] : memref<65536x128xf32, #tpu.memory_space<hbm>> -> memref<256x128xf32, #tpu.memory_space<hbm>>
          tpu.enqueue_dma source(%arg6 : memref<256x128xf32, #tpu.memory_space<vmem>>) target(%dma_start3A_397 : memref<256x128xf32, #tpu.memory_space<hbm>>) target_semaphore(%arg13 : memref<!tpu.dma_semaphore, #tpu.memory_space<semaphore_mem>>)
        } else {
        }
      }
      %while3A_206 = arith.constant 1 : i32
      scf.for %while3A_340 = %while3A_204 to %while3A_200 step %while3A_206  : i32 {
        %mul3A_341 = arith.constant 2 : i32
        %mul3A_342 = arith.muli %mul3A_341, %while3A_340 : i32
        %add3A_343 = arith.constant 0 : i32
        %add3A_344 = arith.addi %mul3A_342, %add3A_343 : i32
        %ge3A_345 = arith.constant 2 : i32
        %ge3A_346 = arith.cmpi sge, %add3A_344, %ge3A_345 : i32
        %lt3A_347 = arith.cmpi slt, %add3A_344, %select_n3A_170 : i32
        %and3A_348 = arith.andi %ge3A_346, %lt3A_347 : i1
        %convert_element_type3A_349 = arith.extui %and3A_348 : i1 to i32
        %cond3A_350 = arith.constant 0 : i32
        %cond3A_351 = arith.cmpi ne, %convert_element_type3A_349, %cond3A_350 : i32
        scf.if %cond3A_351 {
          %dma_wait3A = arith.constant 0 : i32
          %dma_wait3A_389 = tpu.memref_slice %arg4[%add3A_146, %dma_wait3A] : memref<65536x128xf32, #tpu.memory_space<hbm>> -> memref<256x128xf32, #tpu.memory_space<hbm>>
          %dma_wait3A_390 = arith.constant 0 : i32
          %dma_wait3A_391 = tpu.memref_slice %arg4[%add3A_146, %dma_wait3A_390] : memref<65536x128xf32, #tpu.memory_space<hbm>> -> memref<256x128xf32, #tpu.memory_space<hbm>>
          tpu.wait_dma2 semaphore(%arg13 : memref<!tpu.dma_semaphore, #tpu.memory_space<semaphore_mem>>) src(%arg6 : memref<256x128xf32, #tpu.memory_space<vmem>>) dst(%dma_wait3A_391 : memref<256x128xf32, #tpu.memory_space<hbm>>)
        } else {
        }
        %lt3A_352 = arith.cmpi slt, %add3A_344, %select_n3A_170 : i32
        %convert_element_type3A_353 = arith.extui %lt3A_352 : i1 to i32
        %cond3A_354 = arith.constant 0 : i32
        %cond3A_355 = arith.cmpi ne, %convert_element_type3A_353, %cond3A_354 : i32
        scf.if %cond3A_355 {
          %mul3A_389 = arith.constant 256 : i32
          %mul3A_390 = arith.muli %add3A_344, %mul3A_389 : i32
          %add3A_391 = arith.addi %add3A_143, %mul3A_390 : i32
          %dma_start3A = arith.constant 0 : i32
          %dma_start3A_392 = tpu.memref_slice %arg2[%add3A_391, %dma_start3A] : memref<32768x128xf32, #tpu.memory_space<hbm>> -> memref<256x128xf32, #tpu.memory_space<hbm>>
          %dma_start3A_393 = arith.constant 0 : i32
          %dma_start3A_394 = tpu.memref_slice %arg2[%add3A_391, %dma_start3A_393] : memref<32768x128xf32, #tpu.memory_space<hbm>> -> memref<256x128xf32, #tpu.memory_space<hbm>>
          tpu.enqueue_dma source(%dma_start3A_394 : memref<256x128xf32, #tpu.memory_space<hbm>>) target(%arg6 : memref<256x128xf32, #tpu.memory_space<vmem>>) target_semaphore(%arg11 : memref<!tpu.dma_semaphore, #tpu.memory_space<semaphore_mem>>)
        } else {
        }
        %sub3A_356 = arith.constant 1 : i32
        %sub3A_357 = arith.subi %add3A_344, %sub3A_356 : i32
        %ge3A_358 = arith.constant 0 : i32
        %ge3A_359 = arith.cmpi sge, %sub3A_357, %ge3A_358 : i32
        %lt3A_360 = arith.cmpi slt, %sub3A_357, %select_n3A_170 : i32
        %and3A_361 = arith.andi %ge3A_359, %lt3A_360 : i1
        %convert_element_type3A_362 = arith.extui %and3A_361 : i1 to i32
        %cond3A_363 = arith.constant 0 : i32
        %cond3A_364 = arith.cmpi ne, %convert_element_type3A_362, %cond3A_363 : i32
        scf.if %cond3A_364 {
          %dma_wait3A = arith.constant 0 : i32
          %dma_wait3A_389 = tpu.memref_slice %arg2[%add3A_143, %dma_wait3A] : memref<32768x128xf32, #tpu.memory_space<hbm>> -> memref<256x128xf32, #tpu.memory_space<hbm>>
          %dma_wait3A_390 = arith.constant 0 : i32
          %dma_wait3A_391 = tpu.memref_slice %arg2[%add3A_143, %dma_wait3A_390] : memref<32768x128xf32, #tpu.memory_space<hbm>> -> memref<256x128xf32, #tpu.memory_space<hbm>>
          tpu.wait_dma2 semaphore(%arg12 : memref<!tpu.dma_semaphore, #tpu.memory_space<semaphore_mem>>) src(%dma_wait3A_391 : memref<256x128xf32, #tpu.memory_space<hbm>>) dst(%arg7 : memref<256x128xf32, #tpu.memory_space<vmem>>)
          %mul3A_392 = arith.constant 256 : i32
          %mul3A_393 = arith.muli %sub3A_357, %mul3A_392 : i32
          %add3A_394 = arith.addi %add3A_146, %mul3A_393 : i32
          %dma_start3A = arith.constant 0 : i32
          %dma_start3A_395 = tpu.memref_slice %arg4[%add3A_394, %dma_start3A] : memref<65536x128xf32, #tpu.memory_space<hbm>> -> memref<256x128xf32, #tpu.memory_space<hbm>>
          %dma_start3A_396 = arith.constant 0 : i32
          %dma_start3A_397 = tpu.memref_slice %arg4[%add3A_394, %dma_start3A_396] : memref<65536x128xf32, #tpu.memory_space<hbm>> -> memref<256x128xf32, #tpu.memory_space<hbm>>
          tpu.enqueue_dma source(%arg7 : memref<256x128xf32, #tpu.memory_space<vmem>>) target(%dma_start3A_397 : memref<256x128xf32, #tpu.memory_space<hbm>>) target_semaphore(%arg14 : memref<!tpu.dma_semaphore, #tpu.memory_space<semaphore_mem>>)
        } else {
        }
        %mul3A_365 = arith.constant 2 : i32
        %mul3A_366 = arith.muli %mul3A_365, %while3A_340 : i32
        %add3A_367 = arith.constant 1 : i32
        %add3A_368 = arith.addi %mul3A_366, %add3A_367 : i32
        %ge3A_369 = arith.constant 2 : i32
        %ge3A_370 = arith.cmpi sge, %add3A_368, %ge3A_369 : i32
        %lt3A_371 = arith.cmpi slt, %add3A_368, %select_n3A_170 : i32
        %and3A_372 = arith.andi %ge3A_370, %lt3A_371 : i1
        %convert_element_type3A_373 = arith.extui %and3A_372 : i1 to i32
        %cond3A_374 = arith.constant 0 : i32
        %cond3A_375 = arith.cmpi ne, %convert_element_type3A_373, %cond3A_374 : i32
        scf.if %cond3A_375 {
          %dma_wait3A = arith.constant 0 : i32
          %dma_wait3A_389 = tpu.memref_slice %arg4[%add3A_146, %dma_wait3A] : memref<65536x128xf32, #tpu.memory_space<hbm>> -> memref<256x128xf32, #tpu.memory_space<hbm>>
          %dma_wait3A_390 = arith.constant 0 : i32
          %dma_wait3A_391 = tpu.memref_slice %arg4[%add3A_146, %dma_wait3A_390] : memref<65536x128xf32, #tpu.memory_space<hbm>> -> memref<256x128xf32, #tpu.memory_space<hbm>>
          tpu.wait_dma2 semaphore(%arg14 : memref<!tpu.dma_semaphore, #tpu.memory_space<semaphore_mem>>) src(%arg7 : memref<256x128xf32, #tpu.memory_space<vmem>>) dst(%dma_wait3A_391 : memref<256x128xf32, #tpu.memory_space<hbm>>)
        } else {
        }
        %lt3A_376 = arith.cmpi slt, %add3A_368, %select_n3A_170 : i32
        %convert_element_type3A_377 = arith.extui %lt3A_376 : i1 to i32
        %cond3A_378 = arith.constant 0 : i32
        %cond3A_379 = arith.cmpi ne, %convert_element_type3A_377, %cond3A_378 : i32
        scf.if %cond3A_379 {
          %mul3A_389 = arith.constant 256 : i32
          %mul3A_390 = arith.muli %add3A_368, %mul3A_389 : i32
          %add3A_391 = arith.addi %add3A_143, %mul3A_390 : i32
          %dma_start3A = arith.constant 0 : i32
          %dma_start3A_392 = tpu.memref_slice %arg2[%add3A_391, %dma_start3A] : memref<32768x128xf32, #tpu.memory_space<hbm>> -> memref<256x128xf32, #tpu.memory_space<hbm>>
          %dma_start3A_393 = arith.constant 0 : i32
          %dma_start3A_394 = tpu.memref_slice %arg2[%add3A_391, %dma_start3A_393] : memref<32768x128xf32, #tpu.memory_space<hbm>> -> memref<256x128xf32, #tpu.memory_space<hbm>>
          tpu.enqueue_dma source(%dma_start3A_394 : memref<256x128xf32, #tpu.memory_space<hbm>>) target(%arg7 : memref<256x128xf32, #tpu.memory_space<vmem>>) target_semaphore(%arg12 : memref<!tpu.dma_semaphore, #tpu.memory_space<semaphore_mem>>)
        } else {
        }
        %sub3A_380 = arith.constant 1 : i32
        %sub3A_381 = arith.subi %add3A_368, %sub3A_380 : i32
        %ge3A_382 = arith.constant 0 : i32
        %ge3A_383 = arith.cmpi sge, %sub3A_381, %ge3A_382 : i32
        %lt3A_384 = arith.cmpi slt, %sub3A_381, %select_n3A_170 : i32
        %and3A_385 = arith.andi %ge3A_383, %lt3A_384 : i1
        %convert_element_type3A_386 = arith.extui %and3A_385 : i1 to i32
        %cond3A_387 = arith.constant 0 : i32
        %cond3A_388 = arith.cmpi ne, %convert_element_type3A_386, %cond3A_387 : i32
        scf.if %cond3A_388 {
          %dma_wait3A = arith.constant 0 : i32
          %dma_wait3A_389 = tpu.memref_slice %arg2[%add3A_143, %dma_wait3A] : memref<32768x128xf32, #tpu.memory_space<hbm>> -> memref<256x128xf32, #tpu.memory_space<hbm>>
          %dma_wait3A_390 = arith.constant 0 : i32
          %dma_wait3A_391 = tpu.memref_slice %arg2[%add3A_143, %dma_wait3A_390] : memref<32768x128xf32, #tpu.memory_space<hbm>> -> memref<256x128xf32, #tpu.memory_space<hbm>>
          tpu.wait_dma2 semaphore(%arg11 : memref<!tpu.dma_semaphore, #tpu.memory_space<semaphore_mem>>) src(%dma_wait3A_391 : memref<256x128xf32, #tpu.memory_space<hbm>>) dst(%arg6 : memref<256x128xf32, #tpu.memory_space<vmem>>)
          %mul3A_392 = arith.constant 256 : i32
          %mul3A_393 = arith.muli %sub3A_381, %mul3A_392 : i32
          %add3A_394 = arith.addi %add3A_146, %mul3A_393 : i32
          %dma_start3A = arith.constant 0 : i32
          %dma_start3A_395 = tpu.memref_slice %arg4[%add3A_394, %dma_start3A] : memref<65536x128xf32, #tpu.memory_space<hbm>> -> memref<256x128xf32, #tpu.memory_space<hbm>>
          %dma_start3A_396 = arith.constant 0 : i32
          %dma_start3A_397 = tpu.memref_slice %arg4[%add3A_394, %dma_start3A_396] : memref<65536x128xf32, #tpu.memory_space<hbm>> -> memref<256x128xf32, #tpu.memory_space<hbm>>
          tpu.enqueue_dma source(%arg6 : memref<256x128xf32, #tpu.memory_space<vmem>>) target(%dma_start3A_397 : memref<256x128xf32, #tpu.memory_space<hbm>>) target_semaphore(%arg13 : memref<!tpu.dma_semaphore, #tpu.memory_space<semaphore_mem>>)
        } else {
        }
      }
      %ge3A = arith.constant 1 : i32
      %ge3A_207 = arith.cmpi sge, %select_n3A_170, %ge3A : i32
      %convert_element_type3A = arith.extui %ge3A_207 : i1 to i32
      %cond3A = arith.constant 0 : i32
      %cond3A_208 = arith.cmpi ne, %convert_element_type3A, %cond3A : i32
      scf.if %cond3A_208 {
        %dma_wait3A = arith.constant 0 : i32
        %dma_wait3A_340 = tpu.memref_slice %arg4[%add3A_146, %dma_wait3A] : memref<65536x128xf32, #tpu.memory_space<hbm>> -> memref<256x128xf32, #tpu.memory_space<hbm>>
        %dma_wait3A_341 = arith.constant 0 : i32
        %dma_wait3A_342 = tpu.memref_slice %arg4[%add3A_146, %dma_wait3A_341] : memref<65536x128xf32, #tpu.memory_space<hbm>> -> memref<256x128xf32, #tpu.memory_space<hbm>>
        tpu.wait_dma2 semaphore(%arg13 : memref<!tpu.dma_semaphore, #tpu.memory_space<semaphore_mem>>) src(%arg6 : memref<256x128xf32, #tpu.memory_space<vmem>>) dst(%dma_wait3A_342 : memref<256x128xf32, #tpu.memory_space<hbm>>)
      } else {
      }
      %ge3A_209 = arith.constant 2 : i32
      %ge3A_210 = arith.cmpi sge, %select_n3A_170, %ge3A_209 : i32
      %convert_element_type3A_211 = arith.extui %ge3A_210 : i1 to i32
      %cond3A_212 = arith.constant 0 : i32
      %cond3A_213 = arith.cmpi ne, %convert_element_type3A_211, %cond3A_212 : i32
      scf.if %cond3A_213 {
        %dma_wait3A = arith.constant 0 : i32
        %dma_wait3A_340 = tpu.memref_slice %arg4[%add3A_146, %dma_wait3A] : memref<65536x128xf32, #tpu.memory_space<hbm>> -> memref<256x128xf32, #tpu.memory_space<hbm>>
        %dma_wait3A_341 = arith.constant 0 : i32
        %dma_wait3A_342 = tpu.memref_slice %arg4[%add3A_146, %dma_wait3A_341] : memref<65536x128xf32, #tpu.memory_space<hbm>> -> memref<256x128xf32, #tpu.memory_space<hbm>>
        tpu.wait_dma2 semaphore(%arg14 : memref<!tpu.dma_semaphore, #tpu.memory_space<semaphore_mem>>) src(%arg7 : memref<256x128xf32, #tpu.memory_space<vmem>>) dst(%dma_wait3A_342 : memref<256x128xf32, #tpu.memory_space<hbm>>)
      } else {
      }
      %mul3A_214 = arith.constant 256 : i32
      %mul3A_215 = arith.muli %select_n3A_170, %mul3A_214 : i32
      %sub3A_216 = arith.subi %min3A_142, %mul3A_215 : i32
      %mul3A_217 = arith.constant 256 : i32
      %mul3A_218 = arith.muli %select_n3A_170, %mul3A_217 : i32
      %add3A_219 = arith.addi %add3A_143, %mul3A_218 : i32
      %mul3A_220 = arith.constant 256 : i32
      %mul3A_221 = arith.muli %select_n3A_170, %mul3A_220 : i32
      %add3A_222 = arith.addi %add3A_146, %mul3A_221 : i32
      %gt3A = arith.constant 0 : i32
      %gt3A_223 = arith.cmpi sgt, %sub3A_216, %gt3A : i32
      %convert_element_type3A_224 = arith.extui %gt3A_223 : i1 to i32
      %cond3A_225 = arith.constant 0 : i32
      %cond3A_226 = arith.cmpi ne, %convert_element_type3A_224, %cond3A_225 : i32
      scf.if %cond3A_226 {
        %min3A_340 = arith.constant 32512 : i32
        %min3A_341 = arith.minsi %add3A_219, %min3A_340 : i32
        %sub3A_342 = arith.subi %add3A_219, %min3A_341 : i32
        "tpu.region"() ({
          %run_scoped3A = tpu.sem_alloc : memref<!tpu.dma_semaphore, #tpu.memory_space<semaphore_mem>>
          %dma_start3A = arith.constant 0 : i32
          %dma_start3A_425 = tpu.memref_slice %arg2[%min3A_341, %dma_start3A] : memref<32768x128xf32, #tpu.memory_space<hbm>> -> memref<256x128xf32, #tpu.memory_space<hbm>>
          %dma_start3A_426 = arith.constant 0 : i32
          %dma_start3A_427 = tpu.memref_slice %arg2[%min3A_341, %dma_start3A_426] : memref<32768x128xf32, #tpu.memory_space<hbm>> -> memref<256x128xf32, #tpu.memory_space<hbm>>
          tpu.enqueue_dma source(%dma_start3A_427 : memref<256x128xf32, #tpu.memory_space<hbm>>) target(%arg6 : memref<256x128xf32, #tpu.memory_space<vmem>>) target_semaphore(%run_scoped3A : memref<!tpu.dma_semaphore, #tpu.memory_space<semaphore_mem>>)
          %dma_wait3A = arith.constant 0 : i32
          %dma_wait3A_428 = tpu.memref_slice %arg2[%min3A_341, %dma_wait3A] : memref<32768x128xf32, #tpu.memory_space<hbm>> -> memref<256x128xf32, #tpu.memory_space<hbm>>
          %dma_wait3A_429 = arith.constant 0 : i32
          %dma_wait3A_430 = tpu.memref_slice %arg2[%min3A_341, %dma_wait3A_429] : memref<32768x128xf32, #tpu.memory_space<hbm>> -> memref<256x128xf32, #tpu.memory_space<hbm>>
          tpu.wait_dma2 semaphore(%run_scoped3A : memref<!tpu.dma_semaphore, #tpu.memory_space<semaphore_mem>>) src(%dma_wait3A_430 : memref<256x128xf32, #tpu.memory_space<hbm>>) dst(%arg6 : memref<256x128xf32, #tpu.memory_space<vmem>>)
          tpu.yield
        }) : () -> ()
        %and3A_343 = arith.constant 128 : i32
        %and3A_344 = arith.andi %sub3A_216, %and3A_343 : i32
        %ne3A_345 = arith.constant 0 : i32
        %ne3A_346 = arith.cmpi ne, %and3A_344, %ne3A_345 : i32
        %convert_element_type3A_347 = arith.extui %ne3A_346 : i1 to i32
        %cond3A_348 = arith.constant 0 : i32
        %cond3A_349 = arith.constant 0 : i32
        %cond3A_350 = arith.cmpi ne, %convert_element_type3A_347, %cond3A_349 : i32
        scf.if %cond3A_350 {
          %add3A_425 = arith.addi %sub3A_342, %cond3A_348 : i32
          %add3A_426 = arith.addi %add3A_222, %cond3A_348 : i32
          "tpu.region"() ({
            %run_scoped3A = tpu.sem_alloc : memref<!tpu.dma_semaphore, #tpu.memory_space<semaphore_mem>>
            %dma_start3A = arith.constant 0 : i32
            %dma_start3A_427 = tpu.memref_slice %arg6[%add3A_425, %dma_start3A] : memref<256x128xf32, #tpu.memory_space<vmem>> -> memref<128x128xf32, #tpu.memory_space<vmem>>
            %dma_start3A_428 = arith.constant 0 : i32
            %dma_start3A_429 = tpu.memref_slice %arg4[%add3A_426, %dma_start3A_428] : memref<65536x128xf32, #tpu.memory_space<hbm>> -> memref<128x128xf32, #tpu.memory_space<hbm>>
            %dma_start3A_430 = arith.constant 0 : i32
            %dma_start3A_431 = tpu.memref_slice %arg4[%add3A_426, %dma_start3A_430] : memref<65536x128xf32, #tpu.memory_space<hbm>> -> memref<128x128xf32, #tpu.memory_space<hbm>>
            %dma_start3A_432 = arith.constant 0 : i32
            %dma_start3A_433 = tpu.memref_slice %arg6[%add3A_425, %dma_start3A_432] : memref<256x128xf32, #tpu.memory_space<vmem>> -> memref<128x128xf32, #tpu.memory_space<vmem>>
            tpu.enqueue_dma source(%dma_start3A_433 : memref<128x128xf32, #tpu.memory_space<vmem>>) target(%dma_start3A_431 : memref<128x128xf32, #tpu.memory_space<hbm>>) target_semaphore(%run_scoped3A : memref<!tpu.dma_semaphore, #tpu.memory_space<semaphore_mem>>)
            %dma_wait3A = arith.constant 0 : i32
            %dma_wait3A_434 = tpu.memref_slice %arg6[%add3A_425, %dma_wait3A] : memref<256x128xf32, #tpu.memory_space<vmem>> -> memref<128x128xf32, #tpu.memory_space<vmem>>
            %dma_wait3A_435 = arith.constant 0 : i32
            %dma_wait3A_436 = tpu.memref_slice %arg4[%add3A_426, %dma_wait3A_435] : memref<65536x128xf32, #tpu.memory_space<hbm>> -> memref<128x128xf32, #tpu.memory_space<hbm>>
            %dma_wait3A_437 = arith.constant 0 : i32
            %dma_wait3A_438 = tpu.memref_slice %arg4[%add3A_426, %dma_wait3A_437] : memref<65536x128xf32, #tpu.memory_space<hbm>> -> memref<128x128xf32, #tpu.memory_space<hbm>>
            %dma_wait3A_439 = arith.constant 0 : i32
            %dma_wait3A_440 = tpu.memref_slice %arg6[%add3A_425, %dma_wait3A_439] : memref<256x128xf32, #tpu.memory_space<vmem>> -> memref<128x128xf32, #tpu.memory_space<vmem>>
            tpu.wait_dma2 semaphore(%run_scoped3A : memref<!tpu.dma_semaphore, #tpu.memory_space<semaphore_mem>>) src(%dma_wait3A_440 : memref<128x128xf32, #tpu.memory_space<vmem>>) dst(%dma_wait3A_438 : memref<128x128xf32, #tpu.memory_space<hbm>>)
            tpu.yield
          }) : () -> ()
        } else {
        }
        %and3A_351 = arith.constant 128 : i32
        %and3A_352 = arith.andi %sub3A_216, %and3A_351 : i32
        %add3A_353 = arith.constant 0 : i32
        %add3A_354 = arith.addi %add3A_353, %and3A_352 : i32
        %and3A_355 = arith.constant 64 : i32
        %and3A_356 = arith.andi %sub3A_216, %and3A_355 : i32
        %ne3A_357 = arith.constant 0 : i32
        %ne3A_358 = arith.cmpi ne, %and3A_356, %ne3A_357 : i32
        %convert_element_type3A_359 = arith.extui %ne3A_358 : i1 to i32
        %cond3A_360 = arith.constant 0 : i32
        %cond3A_361 = arith.cmpi ne, %convert_element_type3A_359, %cond3A_360 : i32
        scf.if %cond3A_361 {
          %add3A_425 = arith.addi %sub3A_342, %add3A_354 : i32
          %add3A_426 = arith.addi %add3A_222, %add3A_354 : i32
          "tpu.region"() ({
            %run_scoped3A = tpu.sem_alloc : memref<!tpu.dma_semaphore, #tpu.memory_space<semaphore_mem>>
            %dma_start3A = arith.constant 0 : i32
            %dma_start3A_427 = tpu.memref_slice %arg6[%add3A_425, %dma_start3A] : memref<256x128xf32, #tpu.memory_space<vmem>> -> memref<64x128xf32, #tpu.memory_space<vmem>>
            %dma_start3A_428 = arith.constant 0 : i32
            %dma_start3A_429 = tpu.memref_slice %arg4[%add3A_426, %dma_start3A_428] : memref<65536x128xf32, #tpu.memory_space<hbm>> -> memref<64x128xf32, #tpu.memory_space<hbm>>
            %dma_start3A_430 = arith.constant 0 : i32
            %dma_start3A_431 = tpu.memref_slice %arg4[%add3A_426, %dma_start3A_430] : memref<65536x128xf32, #tpu.memory_space<hbm>> -> memref<64x128xf32, #tpu.memory_space<hbm>>
            %dma_start3A_432 = arith.constant 0 : i32
            %dma_start3A_433 = tpu.memref_slice %arg6[%add3A_425, %dma_start3A_432] : memref<256x128xf32, #tpu.memory_space<vmem>> -> memref<64x128xf32, #tpu.memory_space<vmem>>
            tpu.enqueue_dma source(%dma_start3A_433 : memref<64x128xf32, #tpu.memory_space<vmem>>) target(%dma_start3A_431 : memref<64x128xf32, #tpu.memory_space<hbm>>) target_semaphore(%run_scoped3A : memref<!tpu.dma_semaphore, #tpu.memory_space<semaphore_mem>>)
            %dma_wait3A = arith.constant 0 : i32
            %dma_wait3A_434 = tpu.memref_slice %arg6[%add3A_425, %dma_wait3A] : memref<256x128xf32, #tpu.memory_space<vmem>> -> memref<64x128xf32, #tpu.memory_space<vmem>>
            %dma_wait3A_435 = arith.constant 0 : i32
            %dma_wait3A_436 = tpu.memref_slice %arg4[%add3A_426, %dma_wait3A_435] : memref<65536x128xf32, #tpu.memory_space<hbm>> -> memref<64x128xf32, #tpu.memory_space<hbm>>
            %dma_wait3A_437 = arith.constant 0 : i32
            %dma_wait3A_438 = tpu.memref_slice %arg4[%add3A_426, %dma_wait3A_437] : memref<65536x128xf32, #tpu.memory_space<hbm>> -> memref<64x128xf32, #tpu.memory_space<hbm>>
            %dma_wait3A_439 = arith.constant 0 : i32
            %dma_wait3A_440 = tpu.memref_slice %arg6[%add3A_425, %dma_wait3A_439] : memref<256x128xf32, #tpu.memory_space<vmem>> -> memref<64x128xf32, #tpu.memory_space<vmem>>
            tpu.wait_dma2 semaphore(%run_scoped3A : memref<!tpu.dma_semaphore, #tpu.memory_space<semaphore_mem>>) src(%dma_wait3A_440 : memref<64x128xf32, #tpu.memory_space<vmem>>) dst(%dma_wait3A_438 : memref<64x128xf32, #tpu.memory_space<hbm>>)
            tpu.yield
          }) : () -> ()
        } else {
        }
        %and3A_362 = arith.constant 64 : i32
        %and3A_363 = arith.andi %sub3A_216, %and3A_362 : i32
        %add3A_364 = arith.addi %add3A_354, %and3A_363 : i32
        %and3A_365 = arith.constant 32 : i32
        %and3A_366 = arith.andi %sub3A_216, %and3A_365 : i32
        %ne3A_367 = arith.constant 0 : i32
        %ne3A_368 = arith.cmpi ne, %and3A_366, %ne3A_367 : i32
        %convert_element_type3A_369 = arith.extui %ne3A_368 : i1 to i32
        %cond3A_370 = arith.constant 0 : i32
        %cond3A_371 = arith.cmpi ne, %convert_element_type3A_369, %cond3A_370 : i32
        scf.if %cond3A_371 {
          %add3A_425 = arith.addi %sub3A_342, %add3A_364 : i32
          %add3A_426 = arith.addi %add3A_222, %add3A_364 : i32
          "tpu.region"() ({
            %run_scoped3A = tpu.sem_alloc : memref<!tpu.dma_semaphore, #tpu.memory_space<semaphore_mem>>
            %dma_start3A = arith.constant 0 : i32
            %dma_start3A_427 = tpu.memref_slice %arg6[%add3A_425, %dma_start3A] : memref<256x128xf32, #tpu.memory_space<vmem>> -> memref<32x128xf32, #tpu.memory_space<vmem>>
            %dma_start3A_428 = arith.constant 0 : i32
            %dma_start3A_429 = tpu.memref_slice %arg4[%add3A_426, %dma_start3A_428] : memref<65536x128xf32, #tpu.memory_space<hbm>> -> memref<32x128xf32, #tpu.memory_space<hbm>>
            %dma_start3A_430 = arith.constant 0 : i32
            %dma_start3A_431 = tpu.memref_slice %arg4[%add3A_426, %dma_start3A_430] : memref<65536x128xf32, #tpu.memory_space<hbm>> -> memref<32x128xf32, #tpu.memory_space<hbm>>
            %dma_start3A_432 = arith.constant 0 : i32
            %dma_start3A_433 = tpu.memref_slice %arg6[%add3A_425, %dma_start3A_432] : memref<256x128xf32, #tpu.memory_space<vmem>> -> memref<32x128xf32, #tpu.memory_space<vmem>>
            tpu.enqueue_dma source(%dma_start3A_433 : memref<32x128xf32, #tpu.memory_space<vmem>>) target(%dma_start3A_431 : memref<32x128xf32, #tpu.memory_space<hbm>>) target_semaphore(%run_scoped3A : memref<!tpu.dma_semaphore, #tpu.memory_space<semaphore_mem>>)
            %dma_wait3A = arith.constant 0 : i32
            %dma_wait3A_434 = tpu.memref_slice %arg6[%add3A_425, %dma_wait3A] : memref<256x128xf32, #tpu.memory_space<vmem>> -> memref<32x128xf32, #tpu.memory_space<vmem>>
            %dma_wait3A_435 = arith.constant 0 : i32
            %dma_wait3A_436 = tpu.memref_slice %arg4[%add3A_426, %dma_wait3A_435] : memref<65536x128xf32, #tpu.memory_space<hbm>> -> memref<32x128xf32, #tpu.memory_space<hbm>>
            %dma_wait3A_437 = arith.constant 0 : i32
            %dma_wait3A_438 = tpu.memref_slice %arg4[%add3A_426, %dma_wait3A_437] : memref<65536x128xf32, #tpu.memory_space<hbm>> -> memref<32x128xf32, #tpu.memory_space<hbm>>
            %dma_wait3A_439 = arith.constant 0 : i32
            %dma_wait3A_440 = tpu.memref_slice %arg6[%add3A_425, %dma_wait3A_439] : memref<256x128xf32, #tpu.memory_space<vmem>> -> memref<32x128xf32, #tpu.memory_space<vmem>>
            tpu.wait_dma2 semaphore(%run_scoped3A : memref<!tpu.dma_semaphore, #tpu.memory_space<semaphore_mem>>) src(%dma_wait3A_440 : memref<32x128xf32, #tpu.memory_space<vmem>>) dst(%dma_wait3A_438 : memref<32x128xf32, #tpu.memory_space<hbm>>)
            tpu.yield
          }) : () -> ()
        } else {
        }
        %and3A_372 = arith.constant 32 : i32
        %and3A_373 = arith.andi %sub3A_216, %and3A_372 : i32
        %add3A_374 = arith.addi %add3A_364, %and3A_373 : i32
        %and3A_375 = arith.constant 16 : i32
        %and3A_376 = arith.andi %sub3A_216, %and3A_375 : i32
        %ne3A_377 = arith.constant 0 : i32
        %ne3A_378 = arith.cmpi ne, %and3A_376, %ne3A_377 : i32
        %convert_element_type3A_379 = arith.extui %ne3A_378 : i1 to i32
        %cond3A_380 = arith.constant 0 : i32
        %cond3A_381 = arith.cmpi ne, %convert_element_type3A_379, %cond3A_380 : i32
        scf.if %cond3A_381 {
          %add3A_425 = arith.addi %sub3A_342, %add3A_374 : i32
          %add3A_426 = arith.addi %add3A_222, %add3A_374 : i32
          "tpu.region"() ({
            %run_scoped3A = tpu.sem_alloc : memref<!tpu.dma_semaphore, #tpu.memory_space<semaphore_mem>>
            %dma_start3A = arith.constant 0 : i32
            %dma_start3A_427 = tpu.memref_slice %arg6[%add3A_425, %dma_start3A] : memref<256x128xf32, #tpu.memory_space<vmem>> -> memref<16x128xf32, #tpu.memory_space<vmem>>
            %dma_start3A_428 = arith.constant 0 : i32
            %dma_start3A_429 = tpu.memref_slice %arg4[%add3A_426, %dma_start3A_428] : memref<65536x128xf32, #tpu.memory_space<hbm>> -> memref<16x128xf32, #tpu.memory_space<hbm>>
            %dma_start3A_430 = arith.constant 0 : i32
            %dma_start3A_431 = tpu.memref_slice %arg4[%add3A_426, %dma_start3A_430] : memref<65536x128xf32, #tpu.memory_space<hbm>> -> memref<16x128xf32, #tpu.memory_space<hbm>>
            %dma_start3A_432 = arith.constant 0 : i32
            %dma_start3A_433 = tpu.memref_slice %arg6[%add3A_425, %dma_start3A_432] : memref<256x128xf32, #tpu.memory_space<vmem>> -> memref<16x128xf32, #tpu.memory_space<vmem>>
            tpu.enqueue_dma source(%dma_start3A_433 : memref<16x128xf32, #tpu.memory_space<vmem>>) target(%dma_start3A_431 : memref<16x128xf32, #tpu.memory_space<hbm>>) target_semaphore(%run_scoped3A : memref<!tpu.dma_semaphore, #tpu.memory_space<semaphore_mem>>)
            %dma_wait3A = arith.constant 0 : i32
            %dma_wait3A_434 = tpu.memref_slice %arg6[%add3A_425, %dma_wait3A] : memref<256x128xf32, #tpu.memory_space<vmem>> -> memref<16x128xf32, #tpu.memory_space<vmem>>
            %dma_wait3A_435 = arith.constant 0 : i32
            %dma_wait3A_436 = tpu.memref_slice %arg4[%add3A_426, %dma_wait3A_435] : memref<65536x128xf32, #tpu.memory_space<hbm>> -> memref<16x128xf32, #tpu.memory_space<hbm>>
            %dma_wait3A_437 = arith.constant 0 : i32
            %dma_wait3A_438 = tpu.memref_slice %arg4[%add3A_426, %dma_wait3A_437] : memref<65536x128xf32, #tpu.memory_space<hbm>> -> memref<16x128xf32, #tpu.memory_space<hbm>>
            %dma_wait3A_439 = arith.constant 0 : i32
            %dma_wait3A_440 = tpu.memref_slice %arg6[%add3A_425, %dma_wait3A_439] : memref<256x128xf32, #tpu.memory_space<vmem>> -> memref<16x128xf32, #tpu.memory_space<vmem>>
            tpu.wait_dma2 semaphore(%run_scoped3A : memref<!tpu.dma_semaphore, #tpu.memory_space<semaphore_mem>>) src(%dma_wait3A_440 : memref<16x128xf32, #tpu.memory_space<vmem>>) dst(%dma_wait3A_438 : memref<16x128xf32, #tpu.memory_space<hbm>>)
            tpu.yield
          }) : () -> ()
        } else {
        }
        %and3A_382 = arith.constant 16 : i32
        %and3A_383 = arith.andi %sub3A_216, %and3A_382 : i32
        %add3A_384 = arith.addi %add3A_374, %and3A_383 : i32
        %and3A_385 = arith.constant 8 : i32
        %and3A_386 = arith.andi %sub3A_216, %and3A_385 : i32
        %ne3A_387 = arith.constant 0 : i32
        %ne3A_388 = arith.cmpi ne, %and3A_386, %ne3A_387 : i32
        %convert_element_type3A_389 = arith.extui %ne3A_388 : i1 to i32
        %cond3A_390 = arith.constant 0 : i32
        %cond3A_391 = arith.cmpi ne, %convert_element_type3A_389, %cond3A_390 : i32
        scf.if %cond3A_391 {
          %add3A_425 = arith.addi %sub3A_342, %add3A_384 : i32
          %add3A_426 = arith.addi %add3A_222, %add3A_384 : i32
          "tpu.region"() ({
            %run_scoped3A = tpu.sem_alloc : memref<!tpu.dma_semaphore, #tpu.memory_space<semaphore_mem>>
            %dma_start3A = arith.constant 0 : i32
            %dma_start3A_427 = tpu.memref_slice %arg6[%add3A_425, %dma_start3A] : memref<256x128xf32, #tpu.memory_space<vmem>> -> memref<8x128xf32, #tpu.memory_space<vmem>>
            %dma_start3A_428 = arith.constant 0 : i32
            %dma_start3A_429 = tpu.memref_slice %arg4[%add3A_426, %dma_start3A_428] : memref<65536x128xf32, #tpu.memory_space<hbm>> -> memref<8x128xf32, #tpu.memory_space<hbm>>
            %dma_start3A_430 = arith.constant 0 : i32
            %dma_start3A_431 = tpu.memref_slice %arg4[%add3A_426, %dma_start3A_430] : memref<65536x128xf32, #tpu.memory_space<hbm>> -> memref<8x128xf32, #tpu.memory_space<hbm>>
            %dma_start3A_432 = arith.constant 0 : i32
            %dma_start3A_433 = tpu.memref_slice %arg6[%add3A_425, %dma_start3A_432] : memref<256x128xf32, #tpu.memory_space<vmem>> -> memref<8x128xf32, #tpu.memory_space<vmem>>
            tpu.enqueue_dma source(%dma_start3A_433 : memref<8x128xf32, #tpu.memory_space<vmem>>) target(%dma_start3A_431 : memref<8x128xf32, #tpu.memory_space<hbm>>) target_semaphore(%run_scoped3A : memref<!tpu.dma_semaphore, #tpu.memory_space<semaphore_mem>>)
            %dma_wait3A = arith.constant 0 : i32
            %dma_wait3A_434 = tpu.memref_slice %arg6[%add3A_425, %dma_wait3A] : memref<256x128xf32, #tpu.memory_space<vmem>> -> memref<8x128xf32, #tpu.memory_space<vmem>>
            %dma_wait3A_435 = arith.constant 0 : i32
            %dma_wait3A_436 = tpu.memref_slice %arg4[%add3A_426, %dma_wait3A_435] : memref<65536x128xf32, #tpu.memory_space<hbm>> -> memref<8x128xf32, #tpu.memory_space<hbm>>
            %dma_wait3A_437 = arith.constant 0 : i32
            %dma_wait3A_438 = tpu.memref_slice %arg4[%add3A_426, %dma_wait3A_437] : memref<65536x128xf32, #tpu.memory_space<hbm>> -> memref<8x128xf32, #tpu.memory_space<hbm>>
            %dma_wait3A_439 = arith.constant 0 : i32
            %dma_wait3A_440 = tpu.memref_slice %arg6[%add3A_425, %dma_wait3A_439] : memref<256x128xf32, #tpu.memory_space<vmem>> -> memref<8x128xf32, #tpu.memory_space<vmem>>
            tpu.wait_dma2 semaphore(%run_scoped3A : memref<!tpu.dma_semaphore, #tpu.memory_space<semaphore_mem>>) src(%dma_wait3A_440 : memref<8x128xf32, #tpu.memory_space<vmem>>) dst(%dma_wait3A_438 : memref<8x128xf32, #tpu.memory_space<hbm>>)
            tpu.yield
          }) : () -> ()
        } else {
        }
        %and3A_392 = arith.constant 8 : i32
        %and3A_393 = arith.andi %sub3A_216, %and3A_392 : i32
        %add3A_394 = arith.addi %add3A_384, %and3A_393 : i32
        %and3A_395 = arith.constant 4 : i32
        %and3A_396 = arith.andi %sub3A_216, %and3A_395 : i32
        %ne3A_397 = arith.constant 0 : i32
        %ne3A_398 = arith.cmpi ne, %and3A_396, %ne3A_397 : i32
        %convert_element_type3A_399 = arith.extui %ne3A_398 : i1 to i32
        %cond3A_400 = arith.constant 0 : i32
        %cond3A_401 = arith.cmpi ne, %convert_element_type3A_399, %cond3A_400 : i32
        scf.if %cond3A_401 {
          %add3A_425 = arith.addi %sub3A_342, %add3A_394 : i32
          %add3A_426 = arith.addi %add3A_222, %add3A_394 : i32
          "tpu.region"() ({
            %run_scoped3A = tpu.sem_alloc : memref<!tpu.dma_semaphore, #tpu.memory_space<semaphore_mem>>
            %dma_start3A = arith.constant 0 : i32
            %dma_start3A_427 = tpu.memref_slice %arg6[%add3A_425, %dma_start3A] : memref<256x128xf32, #tpu.memory_space<vmem>> -> memref<4x128xf32, #tpu.memory_space<vmem>>
            %dma_start3A_428 = arith.constant 0 : i32
            %dma_start3A_429 = tpu.memref_slice %arg4[%add3A_426, %dma_start3A_428] : memref<65536x128xf32, #tpu.memory_space<hbm>> -> memref<4x128xf32, #tpu.memory_space<hbm>>
            %dma_start3A_430 = arith.constant 0 : i32
            %dma_start3A_431 = tpu.memref_slice %arg4[%add3A_426, %dma_start3A_430] : memref<65536x128xf32, #tpu.memory_space<hbm>> -> memref<4x128xf32, #tpu.memory_space<hbm>>
            %dma_start3A_432 = arith.constant 0 : i32
            %dma_start3A_433 = tpu.memref_slice %arg6[%add3A_425, %dma_start3A_432] : memref<256x128xf32, #tpu.memory_space<vmem>> -> memref<4x128xf32, #tpu.memory_space<vmem>>
            tpu.enqueue_dma source(%dma_start3A_433 : memref<4x128xf32, #tpu.memory_space<vmem>>) target(%dma_start3A_431 : memref<4x128xf32, #tpu.memory_space<hbm>>) target_semaphore(%run_scoped3A : memref<!tpu.dma_semaphore, #tpu.memory_space<semaphore_mem>>)
            %dma_wait3A = arith.constant 0 : i32
            %dma_wait3A_434 = tpu.memref_slice %arg6[%add3A_425, %dma_wait3A] : memref<256x128xf32, #tpu.memory_space<vmem>> -> memref<4x128xf32, #tpu.memory_space<vmem>>
            %dma_wait3A_435 = arith.constant 0 : i32
            %dma_wait3A_436 = tpu.memref_slice %arg4[%add3A_426, %dma_wait3A_435] : memref<65536x128xf32, #tpu.memory_space<hbm>> -> memref<4x128xf32, #tpu.memory_space<hbm>>
            %dma_wait3A_437 = arith.constant 0 : i32
            %dma_wait3A_438 = tpu.memref_slice %arg4[%add3A_426, %dma_wait3A_437] : memref<65536x128xf32, #tpu.memory_space<hbm>> -> memref<4x128xf32, #tpu.memory_space<hbm>>
            %dma_wait3A_439 = arith.constant 0 : i32
            %dma_wait3A_440 = tpu.memref_slice %arg6[%add3A_425, %dma_wait3A_439] : memref<256x128xf32, #tpu.memory_space<vmem>> -> memref<4x128xf32, #tpu.memory_space<vmem>>
            tpu.wait_dma2 semaphore(%run_scoped3A : memref<!tpu.dma_semaphore, #tpu.memory_space<semaphore_mem>>) src(%dma_wait3A_440 : memref<4x128xf32, #tpu.memory_space<vmem>>) dst(%dma_wait3A_438 : memref<4x128xf32, #tpu.memory_space<hbm>>)
            tpu.yield
          }) : () -> ()
        } else {
        }
        %and3A_402 = arith.constant 4 : i32
        %and3A_403 = arith.andi %sub3A_216, %and3A_402 : i32
        %add3A_404 = arith.addi %add3A_394, %and3A_403 : i32
        %and3A_405 = arith.constant 2 : i32
        %and3A_406 = arith.andi %sub3A_216, %and3A_405 : i32
        %ne3A_407 = arith.constant 0 : i32
        %ne3A_408 = arith.cmpi ne, %and3A_406, %ne3A_407 : i32
        %convert_element_type3A_409 = arith.extui %ne3A_408 : i1 to i32
        %cond3A_410 = arith.constant 0 : i32
        %cond3A_411 = arith.cmpi ne, %convert_element_type3A_409, %cond3A_410 : i32
        scf.if %cond3A_411 {
          %add3A_425 = arith.addi %sub3A_342, %add3A_404 : i32
          %add3A_426 = arith.addi %add3A_222, %add3A_404 : i32
          "tpu.region"() ({
            %run_scoped3A = tpu.sem_alloc : memref<!tpu.dma_semaphore, #tpu.memory_space<semaphore_mem>>
            %dma_start3A = arith.constant 0 : i32
            %dma_start3A_427 = tpu.memref_slice %arg6[%add3A_425, %dma_start3A] : memref<256x128xf32, #tpu.memory_space<vmem>> -> memref<2x128xf32, #tpu.memory_space<vmem>>
            %dma_start3A_428 = arith.constant 0 : i32
            %dma_start3A_429 = tpu.memref_slice %arg4[%add3A_426, %dma_start3A_428] : memref<65536x128xf32, #tpu.memory_space<hbm>> -> memref<2x128xf32, #tpu.memory_space<hbm>>
            %dma_start3A_430 = arith.constant 0 : i32
            %dma_start3A_431 = tpu.memref_slice %arg4[%add3A_426, %dma_start3A_430] : memref<65536x128xf32, #tpu.memory_space<hbm>> -> memref<2x128xf32, #tpu.memory_space<hbm>>
            %dma_start3A_432 = arith.constant 0 : i32
            %dma_start3A_433 = tpu.memref_slice %arg6[%add3A_425, %dma_start3A_432] : memref<256x128xf32, #tpu.memory_space<vmem>> -> memref<2x128xf32, #tpu.memory_space<vmem>>
            tpu.enqueue_dma source(%dma_start3A_433 : memref<2x128xf32, #tpu.memory_space<vmem>>) target(%dma_start3A_431 : memref<2x128xf32, #tpu.memory_space<hbm>>) target_semaphore(%run_scoped3A : memref<!tpu.dma_semaphore, #tpu.memory_space<semaphore_mem>>)
            %dma_wait3A = arith.constant 0 : i32
            %dma_wait3A_434 = tpu.memref_slice %arg6[%add3A_425, %dma_wait3A] : memref<256x128xf32, #tpu.memory_space<vmem>> -> memref<2x128xf32, #tpu.memory_space<vmem>>
            %dma_wait3A_435 = arith.constant 0 : i32
            %dma_wait3A_436 = tpu.memref_slice %arg4[%add3A_426, %dma_wait3A_435] : memref<65536x128xf32, #tpu.memory_space<hbm>> -> memref<2x128xf32, #tpu.memory_space<hbm>>
            %dma_wait3A_437 = arith.constant 0 : i32
            %dma_wait3A_438 = tpu.memref_slice %arg4[%add3A_426, %dma_wait3A_437] : memref<65536x128xf32, #tpu.memory_space<hbm>> -> memref<2x128xf32, #tpu.memory_space<hbm>>
            %dma_wait3A_439 = arith.constant 0 : i32
            %dma_wait3A_440 = tpu.memref_slice %arg6[%add3A_425, %dma_wait3A_439] : memref<256x128xf32, #tpu.memory_space<vmem>> -> memref<2x128xf32, #tpu.memory_space<vmem>>
            tpu.wait_dma2 semaphore(%run_scoped3A : memref<!tpu.dma_semaphore, #tpu.memory_space<semaphore_mem>>) src(%dma_wait3A_440 : memref<2x128xf32, #tpu.memory_space<vmem>>) dst(%dma_wait3A_438 : memref<2x128xf32, #tpu.memory_space<hbm>>)
            tpu.yield
          }) : () -> ()
        } else {
        }
        %and3A_412 = arith.constant 2 : i32
        %and3A_413 = arith.andi %sub3A_216, %and3A_412 : i32
        %add3A_414 = arith.addi %add3A_404, %and3A_413 : i32
        %and3A_415 = arith.constant 1 : i32
        %and3A_416 = arith.andi %sub3A_216, %and3A_415 : i32
        %ne3A_417 = arith.constant 0 : i32
        %ne3A_418 = arith.cmpi ne, %and3A_416, %ne3A_417 : i32
        %convert_element_type3A_419 = arith.extui %ne3A_418 : i1 to i32
        %cond3A_420 = arith.constant 0 : i32
        %cond3A_421 = arith.cmpi ne, %convert_element_type3A_419, %cond3A_420 : i32
        scf.if %cond3A_421 {
          %add3A_425 = arith.addi %sub3A_342, %add3A_414 : i32
          %add3A_426 = arith.addi %add3A_222, %add3A_414 : i32
          "tpu.region"() ({
            %run_scoped3A = tpu.sem_alloc : memref<!tpu.dma_semaphore, #tpu.memory_space<semaphore_mem>>
            %dma_start3A = arith.constant 0 : i32
            %dma_start3A_427 = tpu.memref_slice %arg6[%add3A_425, %dma_start3A] : memref<256x128xf32, #tpu.memory_space<vmem>> -> memref<1x128xf32, #tpu.memory_space<vmem>>
            %dma_start3A_428 = arith.constant 0 : i32
            %dma_start3A_429 = tpu.memref_slice %arg4[%add3A_426, %dma_start3A_428] : memref<65536x128xf32, #tpu.memory_space<hbm>> -> memref<1x128xf32, #tpu.memory_space<hbm>>
            %dma_start3A_430 = arith.constant 0 : i32
            %dma_start3A_431 = tpu.memref_slice %arg4[%add3A_426, %dma_start3A_430] : memref<65536x128xf32, #tpu.memory_space<hbm>> -> memref<1x128xf32, #tpu.memory_space<hbm>>
            %dma_start3A_432 = arith.constant 0 : i32
            %dma_start3A_433 = tpu.memref_slice %arg6[%add3A_425, %dma_start3A_432] : memref<256x128xf32, #tpu.memory_space<vmem>> -> memref<1x128xf32, #tpu.memory_space<vmem>>
            tpu.enqueue_dma source(%dma_start3A_433 : memref<1x128xf32, #tpu.memory_space<vmem>>) target(%dma_start3A_431 : memref<1x128xf32, #tpu.memory_space<hbm>>) target_semaphore(%run_scoped3A : memref<!tpu.dma_semaphore, #tpu.memory_space<semaphore_mem>>)
            %dma_wait3A = arith.constant 0 : i32
            %dma_wait3A_434 = tpu.memref_slice %arg6[%add3A_425, %dma_wait3A] : memref<256x128xf32, #tpu.memory_space<vmem>> -> memref<1x128xf32, #tpu.memory_space<vmem>>
            %dma_wait3A_435 = arith.constant 0 : i32
            %dma_wait3A_436 = tpu.memref_slice %arg4[%add3A_426, %dma_wait3A_435] : memref<65536x128xf32, #tpu.memory_space<hbm>> -> memref<1x128xf32, #tpu.memory_space<hbm>>
            %dma_wait3A_437 = arith.constant 0 : i32
            %dma_wait3A_438 = tpu.memref_slice %arg4[%add3A_426, %dma_wait3A_437] : memref<65536x128xf32, #tpu.memory_space<hbm>> -> memref<1x128xf32, #tpu.memory_space<hbm>>
            %dma_wait3A_439 = arith.constant 0 : i32
            %dma_wait3A_440 = tpu.memref_slice %arg6[%add3A_425, %dma_wait3A_439] : memref<256x128xf32, #tpu.memory_space<vmem>> -> memref<1x128xf32, #tpu.memory_space<vmem>>
            tpu.wait_dma2 semaphore(%run_scoped3A : memref<!tpu.dma_semaphore, #tpu.memory_space<semaphore_mem>>) src(%dma_wait3A_440 : memref<1x128xf32, #tpu.memory_space<vmem>>) dst(%dma_wait3A_438 : memref<1x128xf32, #tpu.memory_space<hbm>>)
            tpu.yield
          }) : () -> ()
        } else {
        }
        %and3A_422 = arith.constant 1 : i32
        %and3A_423 = arith.andi %sub3A_216, %and3A_422 : i32
        %add3A_424 = arith.addi %add3A_414, %and3A_423 : i32
      } else {
      }
      %sub3A_227 = arith.constant 1024 : i32
      %sub3A_228 = arith.subi %sub3A_227, %min3A_142 : i32
      %jit3A_229 = arith.constant 192 : i32
      %div3A_230 = arith.divsi %sub3A_228, %jit3A_229 : i32
      %sign3A_231 = arith.constant 0 : i32
      %sign3A_232 = arith.cmpi sgt, %sub3A_228, %sign3A_231 : i32
      %sign3A_233 = arith.extui %sign3A_232 : i1 to i32
      %sign3A_234 = arith.constant 0 : i32
      %sign3A_235 = arith.cmpi slt, %sub3A_228, %sign3A_234 : i32
      %sign3A_236 = arith.extui %sign3A_235 : i1 to i32
      %sign3A_237 = arith.subi %sign3A_233, %sign3A_236 : i32
      %sign3A_238 = arith.constant 0 : i32
      %sign3A_239 = arith.cmpi sgt, %jit3A_229, %sign3A_238 : i32
      %sign3A_240 = arith.extui %sign3A_239 : i1 to i32
      %sign3A_241 = arith.constant 0 : i32
      %sign3A_242 = arith.cmpi slt, %jit3A_229, %sign3A_241 : i32
      %sign3A_243 = arith.extui %sign3A_242 : i1 to i32
      %sign3A_244 = arith.subi %sign3A_240, %sign3A_243 : i32
      %ne3A_245 = arith.cmpi ne, %sign3A_237, %sign3A_244 : i32
      %rem3A_246 = arith.remsi %sub3A_228, %jit3A_229 : i32
      %ne3A_247 = arith.constant 0 : i32
      %ne3A_248 = arith.cmpi ne, %rem3A_246, %ne3A_247 : i32
      %and3A_249 = arith.andi %ne3A_245, %ne3A_248 : i1
      %sub3A_250 = arith.constant 1 : i32
      %sub3A_251 = arith.subi %div3A_230, %sub3A_250 : i32
      %select_n3A_252 = arith.select %and3A_249, %sub3A_251, %div3A_230 : i32
      %mul3A_253 = arith.constant 192 : i32
      %mul3A_254 = arith.muli %select_n3A_252, %mul3A_253 : i32
      %sub3A_255 = arith.subi %sub3A_228, %mul3A_254 : i32
      %add3A_256 = arith.addi %add3A_146, %min3A_142 : i32
      %mul3A_257 = arith.constant 192 : i32
      %mul3A_258 = arith.muli %select_n3A_252, %mul3A_257 : i32
      %add3A_259 = arith.addi %add3A_256, %mul3A_258 : i32
      %and3A_260 = arith.constant 128 : i32
      %and3A_261 = arith.andi %sub3A_255, %and3A_260 : i32
      %ne3A_262 = arith.constant 0 : i32
      %ne3A_263 = arith.cmpi ne, %and3A_261, %ne3A_262 : i32
      %convert_element_type3A_264 = arith.extui %ne3A_263 : i1 to i32
      %cond3A_265 = arith.constant 0 : i32
      %cond3A_266 = arith.cmpi ne, %convert_element_type3A_264, %cond3A_265 : i32
      scf.if %cond3A_266 {
        "tpu.region"() ({
          %run_scoped3A = tpu.sem_alloc : memref<!tpu.dma_semaphore, #tpu.memory_space<semaphore_mem>>
          %dma_start3A = arith.constant 0 : i32
          %dma_start3A_340 = tpu.memref_slice %arg4[%add3A_259, %dma_start3A] : memref<65536x128xf32, #tpu.memory_space<hbm>> -> memref<128x128xf32, #tpu.memory_space<hbm>>
          %dma_start3A_341 = arith.constant 0 : i32
          %dma_start3A_342 = arith.constant 0 : i32
          %dma_start3A_343 = tpu.memref_slice %arg9[%dma_start3A_341, %dma_start3A_342] : memref<192x128xf32, #tpu.memory_space<vmem_shared>> -> memref<128x128xf32, #tpu.memory_space<vmem_shared>>
          tpu.enqueue_dma source(%dma_start3A_343 : memref<128x128xf32, #tpu.memory_space<vmem_shared>>) target(%dma_start3A_340 : memref<128x128xf32, #tpu.memory_space<hbm>>) target_semaphore(%run_scoped3A : memref<!tpu.dma_semaphore, #tpu.memory_space<semaphore_mem>>)
          %dma_wait3A = arith.constant 0 : i32
          %dma_wait3A_344 = tpu.memref_slice %arg4[%add3A_259, %dma_wait3A] : memref<65536x128xf32, #tpu.memory_space<hbm>> -> memref<128x128xf32, #tpu.memory_space<hbm>>
          %dma_wait3A_345 = arith.constant 0 : i32
          %dma_wait3A_346 = arith.constant 0 : i32
          %dma_wait3A_347 = tpu.memref_slice %arg9[%dma_wait3A_345, %dma_wait3A_346] : memref<192x128xf32, #tpu.memory_space<vmem_shared>> -> memref<128x128xf32, #tpu.memory_space<vmem_shared>>
          tpu.wait_dma2 semaphore(%run_scoped3A : memref<!tpu.dma_semaphore, #tpu.memory_space<semaphore_mem>>) src(%dma_wait3A_347 : memref<128x128xf32, #tpu.memory_space<vmem_shared>>) dst(%dma_wait3A_344 : memref<128x128xf32, #tpu.memory_space<hbm>>)
          tpu.yield
        }) : () -> ()
      } else {
      }
      %and3A_267 = arith.constant 128 : i32
      %and3A_268 = arith.andi %sub3A_255, %and3A_267 : i32
      %add3A_269 = arith.addi %add3A_259, %and3A_268 : i32
      %and3A_270 = arith.constant 64 : i32
      %and3A_271 = arith.andi %sub3A_255, %and3A_270 : i32
      %ne3A_272 = arith.constant 0 : i32
      %ne3A_273 = arith.cmpi ne, %and3A_271, %ne3A_272 : i32
      %convert_element_type3A_274 = arith.extui %ne3A_273 : i1 to i32
      %cond3A_275 = arith.constant 0 : i32
      %cond3A_276 = arith.cmpi ne, %convert_element_type3A_274, %cond3A_275 : i32
      scf.if %cond3A_276 {
        "tpu.region"() ({
          %run_scoped3A = tpu.sem_alloc : memref<!tpu.dma_semaphore, #tpu.memory_space<semaphore_mem>>
          %dma_start3A = arith.constant 0 : i32
          %dma_start3A_340 = tpu.memref_slice %arg4[%add3A_269, %dma_start3A] : memref<65536x128xf32, #tpu.memory_space<hbm>> -> memref<64x128xf32, #tpu.memory_space<hbm>>
          %dma_start3A_341 = arith.constant 0 : i32
          %dma_start3A_342 = arith.constant 0 : i32
          %dma_start3A_343 = tpu.memref_slice %arg9[%dma_start3A_341, %dma_start3A_342] : memref<192x128xf32, #tpu.memory_space<vmem_shared>> -> memref<64x128xf32, #tpu.memory_space<vmem_shared>>
          tpu.enqueue_dma source(%dma_start3A_343 : memref<64x128xf32, #tpu.memory_space<vmem_shared>>) target(%dma_start3A_340 : memref<64x128xf32, #tpu.memory_space<hbm>>) target_semaphore(%run_scoped3A : memref<!tpu.dma_semaphore, #tpu.memory_space<semaphore_mem>>)
          %dma_wait3A = arith.constant 0 : i32
          %dma_wait3A_344 = tpu.memref_slice %arg4[%add3A_269, %dma_wait3A] : memref<65536x128xf32, #tpu.memory_space<hbm>> -> memref<64x128xf32, #tpu.memory_space<hbm>>
          %dma_wait3A_345 = arith.constant 0 : i32
          %dma_wait3A_346 = arith.constant 0 : i32
          %dma_wait3A_347 = tpu.memref_slice %arg9[%dma_wait3A_345, %dma_wait3A_346] : memref<192x128xf32, #tpu.memory_space<vmem_shared>> -> memref<64x128xf32, #tpu.memory_space<vmem_shared>>
          tpu.wait_dma2 semaphore(%run_scoped3A : memref<!tpu.dma_semaphore, #tpu.memory_space<semaphore_mem>>) src(%dma_wait3A_347 : memref<64x128xf32, #tpu.memory_space<vmem_shared>>) dst(%dma_wait3A_344 : memref<64x128xf32, #tpu.memory_space<hbm>>)
          tpu.yield
        }) : () -> ()
      } else {
      }
      %and3A_277 = arith.constant 64 : i32
      %and3A_278 = arith.andi %sub3A_255, %and3A_277 : i32
      %add3A_279 = arith.addi %add3A_269, %and3A_278 : i32
      %and3A_280 = arith.constant 32 : i32
      %and3A_281 = arith.andi %sub3A_255, %and3A_280 : i32
      %ne3A_282 = arith.constant 0 : i32
      %ne3A_283 = arith.cmpi ne, %and3A_281, %ne3A_282 : i32
      %convert_element_type3A_284 = arith.extui %ne3A_283 : i1 to i32
      %cond3A_285 = arith.constant 0 : i32
      %cond3A_286 = arith.cmpi ne, %convert_element_type3A_284, %cond3A_285 : i32
      scf.if %cond3A_286 {
        "tpu.region"() ({
          %run_scoped3A = tpu.sem_alloc : memref<!tpu.dma_semaphore, #tpu.memory_space<semaphore_mem>>
          %dma_start3A = arith.constant 0 : i32
          %dma_start3A_340 = tpu.memref_slice %arg4[%add3A_279, %dma_start3A] : memref<65536x128xf32, #tpu.memory_space<hbm>> -> memref<32x128xf32, #tpu.memory_space<hbm>>
          %dma_start3A_341 = arith.constant 0 : i32
          %dma_start3A_342 = arith.constant 0 : i32
          %dma_start3A_343 = tpu.memref_slice %arg9[%dma_start3A_341, %dma_start3A_342] : memref<192x128xf32, #tpu.memory_space<vmem_shared>> -> memref<32x128xf32, #tpu.memory_space<vmem_shared>>
          tpu.enqueue_dma source(%dma_start3A_343 : memref<32x128xf32, #tpu.memory_space<vmem_shared>>) target(%dma_start3A_340 : memref<32x128xf32, #tpu.memory_space<hbm>>) target_semaphore(%run_scoped3A : memref<!tpu.dma_semaphore, #tpu.memory_space<semaphore_mem>>)
          %dma_wait3A = arith.constant 0 : i32
          %dma_wait3A_344 = tpu.memref_slice %arg4[%add3A_279, %dma_wait3A] : memref<65536x128xf32, #tpu.memory_space<hbm>> -> memref<32x128xf32, #tpu.memory_space<hbm>>
          %dma_wait3A_345 = arith.constant 0 : i32
          %dma_wait3A_346 = arith.constant 0 : i32
          %dma_wait3A_347 = tpu.memref_slice %arg9[%dma_wait3A_345, %dma_wait3A_346] : memref<192x128xf32, #tpu.memory_space<vmem_shared>> -> memref<32x128xf32, #tpu.memory_space<vmem_shared>>
          tpu.wait_dma2 semaphore(%run_scoped3A : memref<!tpu.dma_semaphore, #tpu.memory_space<semaphore_mem>>) src(%dma_wait3A_347 : memref<32x128xf32, #tpu.memory_space<vmem_shared>>) dst(%dma_wait3A_344 : memref<32x128xf32, #tpu.memory_space<hbm>>)
          tpu.yield
        }) : () -> ()
      } else {
      }
      %and3A_287 = arith.constant 32 : i32
      %and3A_288 = arith.andi %sub3A_255, %and3A_287 : i32
      %add3A_289 = arith.addi %add3A_279, %and3A_288 : i32
      %and3A_290 = arith.constant 16 : i32
      %and3A_291 = arith.andi %sub3A_255, %and3A_290 : i32
      %ne3A_292 = arith.constant 0 : i32
      %ne3A_293 = arith.cmpi ne, %and3A_291, %ne3A_292 : i32
      %convert_element_type3A_294 = arith.extui %ne3A_293 : i1 to i32
      %cond3A_295 = arith.constant 0 : i32
      %cond3A_296 = arith.cmpi ne, %convert_element_type3A_294, %cond3A_295 : i32
      scf.if %cond3A_296 {
        "tpu.region"() ({
          %run_scoped3A = tpu.sem_alloc : memref<!tpu.dma_semaphore, #tpu.memory_space<semaphore_mem>>
          %dma_start3A = arith.constant 0 : i32
          %dma_start3A_340 = tpu.memref_slice %arg4[%add3A_289, %dma_start3A] : memref<65536x128xf32, #tpu.memory_space<hbm>> -> memref<16x128xf32, #tpu.memory_space<hbm>>
          %dma_start3A_341 = arith.constant 0 : i32
          %dma_start3A_342 = arith.constant 0 : i32
          %dma_start3A_343 = tpu.memref_slice %arg9[%dma_start3A_341, %dma_start3A_342] : memref<192x128xf32, #tpu.memory_space<vmem_shared>> -> memref<16x128xf32, #tpu.memory_space<vmem_shared>>
          tpu.enqueue_dma source(%dma_start3A_343 : memref<16x128xf32, #tpu.memory_space<vmem_shared>>) target(%dma_start3A_340 : memref<16x128xf32, #tpu.memory_space<hbm>>) target_semaphore(%run_scoped3A : memref<!tpu.dma_semaphore, #tpu.memory_space<semaphore_mem>>)
          %dma_wait3A = arith.constant 0 : i32
          %dma_wait3A_344 = tpu.memref_slice %arg4[%add3A_289, %dma_wait3A] : memref<65536x128xf32, #tpu.memory_space<hbm>> -> memref<16x128xf32, #tpu.memory_space<hbm>>
          %dma_wait3A_345 = arith.constant 0 : i32
          %dma_wait3A_346 = arith.constant 0 : i32
          %dma_wait3A_347 = tpu.memref_slice %arg9[%dma_wait3A_345, %dma_wait3A_346] : memref<192x128xf32, #tpu.memory_space<vmem_shared>> -> memref<16x128xf32, #tpu.memory_space<vmem_shared>>
          tpu.wait_dma2 semaphore(%run_scoped3A : memref<!tpu.dma_semaphore, #tpu.memory_space<semaphore_mem>>) src(%dma_wait3A_347 : memref<16x128xf32, #tpu.memory_space<vmem_shared>>) dst(%dma_wait3A_344 : memref<16x128xf32, #tpu.memory_space<hbm>>)
          tpu.yield
        }) : () -> ()
      } else {
      }
      %and3A_297 = arith.constant 16 : i32
      %and3A_298 = arith.andi %sub3A_255, %and3A_297 : i32
      %add3A_299 = arith.addi %add3A_289, %and3A_298 : i32
      %and3A_300 = arith.constant 8 : i32
      %and3A_301 = arith.andi %sub3A_255, %and3A_300 : i32
      %ne3A_302 = arith.constant 0 : i32
      %ne3A_303 = arith.cmpi ne, %and3A_301, %ne3A_302 : i32
      %convert_element_type3A_304 = arith.extui %ne3A_303 : i1 to i32
      %cond3A_305 = arith.constant 0 : i32
      %cond3A_306 = arith.cmpi ne, %convert_element_type3A_304, %cond3A_305 : i32
      scf.if %cond3A_306 {
        "tpu.region"() ({
          %run_scoped3A = tpu.sem_alloc : memref<!tpu.dma_semaphore, #tpu.memory_space<semaphore_mem>>
          %dma_start3A = arith.constant 0 : i32
          %dma_start3A_340 = tpu.memref_slice %arg4[%add3A_299, %dma_start3A] : memref<65536x128xf32, #tpu.memory_space<hbm>> -> memref<8x128xf32, #tpu.memory_space<hbm>>
          %dma_start3A_341 = arith.constant 0 : i32
          %dma_start3A_342 = arith.constant 0 : i32
          %dma_start3A_343 = tpu.memref_slice %arg9[%dma_start3A_341, %dma_start3A_342] : memref<192x128xf32, #tpu.memory_space<vmem_shared>> -> memref<8x128xf32, #tpu.memory_space<vmem_shared>>
          tpu.enqueue_dma source(%dma_start3A_343 : memref<8x128xf32, #tpu.memory_space<vmem_shared>>) target(%dma_start3A_340 : memref<8x128xf32, #tpu.memory_space<hbm>>) target_semaphore(%run_scoped3A : memref<!tpu.dma_semaphore, #tpu.memory_space<semaphore_mem>>)
          %dma_wait3A = arith.constant 0 : i32
          %dma_wait3A_344 = tpu.memref_slice %arg4[%add3A_299, %dma_wait3A] : memref<65536x128xf32, #tpu.memory_space<hbm>> -> memref<8x128xf32, #tpu.memory_space<hbm>>
          %dma_wait3A_345 = arith.constant 0 : i32
          %dma_wait3A_346 = arith.constant 0 : i32
          %dma_wait3A_347 = tpu.memref_slice %arg9[%dma_wait3A_345, %dma_wait3A_346] : memref<192x128xf32, #tpu.memory_space<vmem_shared>> -> memref<8x128xf32, #tpu.memory_space<vmem_shared>>
          tpu.wait_dma2 semaphore(%run_scoped3A : memref<!tpu.dma_semaphore, #tpu.memory_space<semaphore_mem>>) src(%dma_wait3A_347 : memref<8x128xf32, #tpu.memory_space<vmem_shared>>) dst(%dma_wait3A_344 : memref<8x128xf32, #tpu.memory_space<hbm>>)
          tpu.yield
        }) : () -> ()
      } else {
      }
      %and3A_307 = arith.constant 8 : i32
      %and3A_308 = arith.andi %sub3A_255, %and3A_307 : i32
      %add3A_309 = arith.addi %add3A_299, %and3A_308 : i32
      %and3A_310 = arith.constant 4 : i32
      %and3A_311 = arith.andi %sub3A_255, %and3A_310 : i32
      %ne3A_312 = arith.constant 0 : i32
      %ne3A_313 = arith.cmpi ne, %and3A_311, %ne3A_312 : i32
      %convert_element_type3A_314 = arith.extui %ne3A_313 : i1 to i32
      %cond3A_315 = arith.constant 0 : i32
      %cond3A_316 = arith.cmpi ne, %convert_element_type3A_314, %cond3A_315 : i32
      scf.if %cond3A_316 {
        "tpu.region"() ({
          %run_scoped3A = tpu.sem_alloc : memref<!tpu.dma_semaphore, #tpu.memory_space<semaphore_mem>>
          %dma_start3A = arith.constant 0 : i32
          %dma_start3A_340 = tpu.memref_slice %arg4[%add3A_309, %dma_start3A] : memref<65536x128xf32, #tpu.memory_space<hbm>> -> memref<4x128xf32, #tpu.memory_space<hbm>>
          %dma_start3A_341 = arith.constant 0 : i32
          %dma_start3A_342 = arith.constant 0 : i32
          %dma_start3A_343 = tpu.memref_slice %arg9[%dma_start3A_341, %dma_start3A_342] : memref<192x128xf32, #tpu.memory_space<vmem_shared>> -> memref<4x128xf32, #tpu.memory_space<vmem_shared>>
          tpu.enqueue_dma source(%dma_start3A_343 : memref<4x128xf32, #tpu.memory_space<vmem_shared>>) target(%dma_start3A_340 : memref<4x128xf32, #tpu.memory_space<hbm>>) target_semaphore(%run_scoped3A : memref<!tpu.dma_semaphore, #tpu.memory_space<semaphore_mem>>)
          %dma_wait3A = arith.constant 0 : i32
          %dma_wait3A_344 = tpu.memref_slice %arg4[%add3A_309, %dma_wait3A] : memref<65536x128xf32, #tpu.memory_space<hbm>> -> memref<4x128xf32, #tpu.memory_space<hbm>>
          %dma_wait3A_345 = arith.constant 0 : i32
          %dma_wait3A_346 = arith.constant 0 : i32
          %dma_wait3A_347 = tpu.memref_slice %arg9[%dma_wait3A_345, %dma_wait3A_346] : memref<192x128xf32, #tpu.memory_space<vmem_shared>> -> memref<4x128xf32, #tpu.memory_space<vmem_shared>>
          tpu.wait_dma2 semaphore(%run_scoped3A : memref<!tpu.dma_semaphore, #tpu.memory_space<semaphore_mem>>) src(%dma_wait3A_347 : memref<4x128xf32, #tpu.memory_space<vmem_shared>>) dst(%dma_wait3A_344 : memref<4x128xf32, #tpu.memory_space<hbm>>)
          tpu.yield
        }) : () -> ()
      } else {
      }
      %and3A_317 = arith.constant 4 : i32
      %and3A_318 = arith.andi %sub3A_255, %and3A_317 : i32
      %add3A_319 = arith.addi %add3A_309, %and3A_318 : i32
      %and3A_320 = arith.constant 2 : i32
      %and3A_321 = arith.andi %sub3A_255, %and3A_320 : i32
      %ne3A_322 = arith.constant 0 : i32
      %ne3A_323 = arith.cmpi ne, %and3A_321, %ne3A_322 : i32
      %convert_element_type3A_324 = arith.extui %ne3A_323 : i1 to i32
      %cond3A_325 = arith.constant 0 : i32
      %cond3A_326 = arith.cmpi ne, %convert_element_type3A_324, %cond3A_325 : i32
      scf.if %cond3A_326 {
        "tpu.region"() ({
          %run_scoped3A = tpu.sem_alloc : memref<!tpu.dma_semaphore, #tpu.memory_space<semaphore_mem>>
          %dma_start3A = arith.constant 0 : i32
          %dma_start3A_340 = tpu.memref_slice %arg4[%add3A_319, %dma_start3A] : memref<65536x128xf32, #tpu.memory_space<hbm>> -> memref<2x128xf32, #tpu.memory_space<hbm>>
          %dma_start3A_341 = arith.constant 0 : i32
          %dma_start3A_342 = arith.constant 0 : i32
          %dma_start3A_343 = tpu.memref_slice %arg9[%dma_start3A_341, %dma_start3A_342] : memref<192x128xf32, #tpu.memory_space<vmem_shared>> -> memref<2x128xf32, #tpu.memory_space<vmem_shared>>
          tpu.enqueue_dma source(%dma_start3A_343 : memref<2x128xf32, #tpu.memory_space<vmem_shared>>) target(%dma_start3A_340 : memref<2x128xf32, #tpu.memory_space<hbm>>) target_semaphore(%run_scoped3A : memref<!tpu.dma_semaphore, #tpu.memory_space<semaphore_mem>>)
          %dma_wait3A = arith.constant 0 : i32
          %dma_wait3A_344 = tpu.memref_slice %arg4[%add3A_319, %dma_wait3A] : memref<65536x128xf32, #tpu.memory_space<hbm>> -> memref<2x128xf32, #tpu.memory_space<hbm>>
          %dma_wait3A_345 = arith.constant 0 : i32
          %dma_wait3A_346 = arith.constant 0 : i32
          %dma_wait3A_347 = tpu.memref_slice %arg9[%dma_wait3A_345, %dma_wait3A_346] : memref<192x128xf32, #tpu.memory_space<vmem_shared>> -> memref<2x128xf32, #tpu.memory_space<vmem_shared>>
          tpu.wait_dma2 semaphore(%run_scoped3A : memref<!tpu.dma_semaphore, #tpu.memory_space<semaphore_mem>>) src(%dma_wait3A_347 : memref<2x128xf32, #tpu.memory_space<vmem_shared>>) dst(%dma_wait3A_344 : memref<2x128xf32, #tpu.memory_space<hbm>>)
          tpu.yield
        }) : () -> ()
      } else {
      }
      %and3A_327 = arith.constant 2 : i32
      %and3A_328 = arith.andi %sub3A_255, %and3A_327 : i32
      %add3A_329 = arith.addi %add3A_319, %and3A_328 : i32
      %and3A_330 = arith.constant 1 : i32
      %and3A_331 = arith.andi %sub3A_255, %and3A_330 : i32
      %ne3A_332 = arith.constant 0 : i32
      %ne3A_333 = arith.cmpi ne, %and3A_331, %ne3A_332 : i32
      %convert_element_type3A_334 = arith.extui %ne3A_333 : i1 to i32
      %cond3A_335 = arith.constant 0 : i32
      %cond3A_336 = arith.cmpi ne, %convert_element_type3A_334, %cond3A_335 : i32
      scf.if %cond3A_336 {
        "tpu.region"() ({
          %run_scoped3A = tpu.sem_alloc : memref<!tpu.dma_semaphore, #tpu.memory_space<semaphore_mem>>
          %dma_start3A = arith.constant 0 : i32
          %dma_start3A_340 = tpu.memref_slice %arg4[%add3A_329, %dma_start3A] : memref<65536x128xf32, #tpu.memory_space<hbm>> -> memref<1x128xf32, #tpu.memory_space<hbm>>
          %dma_start3A_341 = arith.constant 0 : i32
          %dma_start3A_342 = arith.constant 0 : i32
          %dma_start3A_343 = tpu.memref_slice %arg9[%dma_start3A_341, %dma_start3A_342] : memref<192x128xf32, #tpu.memory_space<vmem_shared>> -> memref<1x128xf32, #tpu.memory_space<vmem_shared>>
          tpu.enqueue_dma source(%dma_start3A_343 : memref<1x128xf32, #tpu.memory_space<vmem_shared>>) target(%dma_start3A_340 : memref<1x128xf32, #tpu.memory_space<hbm>>) target_semaphore(%run_scoped3A : memref<!tpu.dma_semaphore, #tpu.memory_space<semaphore_mem>>)
          %dma_wait3A = arith.constant 0 : i32
          %dma_wait3A_344 = tpu.memref_slice %arg4[%add3A_329, %dma_wait3A] : memref<65536x128xf32, #tpu.memory_space<hbm>> -> memref<1x128xf32, #tpu.memory_space<hbm>>
          %dma_wait3A_345 = arith.constant 0 : i32
          %dma_wait3A_346 = arith.constant 0 : i32
          %dma_wait3A_347 = tpu.memref_slice %arg9[%dma_wait3A_345, %dma_wait3A_346] : memref<192x128xf32, #tpu.memory_space<vmem_shared>> -> memref<1x128xf32, #tpu.memory_space<vmem_shared>>
          tpu.wait_dma2 semaphore(%run_scoped3A : memref<!tpu.dma_semaphore, #tpu.memory_space<semaphore_mem>>) src(%dma_wait3A_347 : memref<1x128xf32, #tpu.memory_space<vmem_shared>>) dst(%dma_wait3A_344 : memref<1x128xf32, #tpu.memory_space<hbm>>)
          tpu.yield
        }) : () -> ()
      } else {
      }
      %and3A_337 = arith.constant 1 : i32
      %and3A_338 = arith.andi %sub3A_255, %and3A_337 : i32
      %add3A_339 = arith.addi %add3A_329, %and3A_338 : i32
    }
    %scan3A_119 = arith.constant 2 : i32
    %while3A = arith.constant 0 : i32
    %while3A_120 = arith.constant 0 : i32
    %while3A_121 = arith.subi %scan3A_112, %while3A_120 : i32
    %while3A_122 = arith.addi %while3A_120, %while3A_121 : i32
    %while3A_123 = arith.constant 1 : i32
    %while3A_124 = arith.divsi %while3A_121, %while3A_123 : i32
    %while3A_125 = arith.muli %while3A_124, %while3A_123 : i32
    %while3A_126 = arith.addi %while3A_120, %while3A_125 : i32
    %while3A_127 = arith.constant 1 : i32
    scf.for %while3A_129 = %while3A_120 to %while3A_126 step %while3A_127  : i32 {
      %dma_wait3A = arith.constant 0 : i32
      %dma_wait3A_130 = arith.constant 0 : i32
      %dma_wait3A_131 = tpu.memref_slice %arg4[%dma_wait3A, %dma_wait3A_130] : memref<65536x128xf32, #tpu.memory_space<hbm>> -> memref<192x128xf32, #tpu.memory_space<hbm>>
      tpu.wait_dma2 semaphore(%arg15 : memref<!tpu.dma_semaphore, #tpu.memory_space<semaphore_mem>>) src(%arg9 : memref<192x128xf32, #tpu.memory_space<vmem_shared>>) dst(%dma_wait3A_131 : memref<192x128xf32, #tpu.memory_space<hbm>>)
    }
    %while3A_128 = arith.constant 1 : i32
    scf.for %while3A_129 = %while3A_126 to %while3A_122 step %while3A_128  : i32 {
      %dma_wait3A = arith.constant 0 : i32
      %dma_wait3A_130 = arith.constant 0 : i32
      %dma_wait3A_131 = tpu.memref_slice %arg4[%dma_wait3A, %dma_wait3A_130] : memref<65536x128xf32, #tpu.memory_space<hbm>> -> memref<192x128xf32, #tpu.memory_space<hbm>>
      tpu.wait_dma2 semaphore(%arg15 : memref<!tpu.dma_semaphore, #tpu.memory_space<semaphore_mem>>) src(%arg9 : memref<192x128xf32, #tpu.memory_space<vmem_shared>>) dst(%dma_wait3A_131 : memref<192x128xf32, #tpu.memory_space<hbm>>)
    }
    return
  }
}

</mosaic_0001>

<sc_bundles>
// kernel: kernel.3.cloned.1.call-start
scs
__scs_entry_jumppad:
0x0: {  	(pc) =	sbr.rel $0x88, $3  }
0x1: {  	(tag) =	ssettag $0x0;
	lr =	simm.s32 $0x1  }
0x2: {  	[smem:$0x3F9F] =	sst lr;
	_ =	strace $0xD0000000  }
0x3: {  	_ = 	snop  }
0x4: {  	_ = 	snop  }
0x5: {  	_ = 	snop  }
0x6: {  	_ = 	snop  }
0x7: {  	_ = 	snop  }
__scs_overlays_trampoline_lowered:
0x8: {  	[smem:$0x3FAE] =	sst s0  }
0x9: {  	[smem:$0x3FAF] =	sst s1  }
0xa: {  	[smem:$0x3FB0] =	sst s2  }
0xb: {  	[smem:$0x3FB1] =	sst s3  }
0xc: {  	[smem:$0x3FB2] =	sst s4  }
0xd: {  	[smem:$0x3FB3] =	sst s5  }
0xe: {  	[smem:$0x3FB4] =	sst s6  }
0xf: {  	[smem:$0x3FB5] =	sst s7  }
0x10: {  	[smem:$0x3FB6] =	sst s8  }
0x11: {  	[smem:$0x3FB7] =	sst s9;
	s0 =	simm.s32 @!p0 $0x0  }
0x12: {  	s1 =	sld [smem:$0x3F9D];
	s0 =	simm.s32 @p0 $0x1  }
0x13: {  	[smem:$0x3FB8] =	sst s0;
	s0 =	simm.s32 @!p1 $0x0  }
0x14: {  	s2 =	sld [smem:$0x3F9C];
	s0 =	simm.s32 @p1 $0x1  }
0x15: {  	[smem:$0x3FB9] =	sst s0;
	s0 =	simm.s32 @!p2 $0x0  }
0x16: {  	s3 =	sld [smem:$0x3FDB];
	s0 =	simm.s32 @p2 $0x1  }
0x17: {  	s4 =	simm.s32 $0x1BF5;
	[smem:$0x3FBB] =	sst s0  }
0x18: {  	s0 =	sld [smem:$0x3F9E];
	_ =	swait.ge [sflag:s4], $0x0  }
0x19: {  	s7 =	sld [smem:$0x3F9F]  }
0x1a: {  	s8 =	sadd.s32 $0xFFFFE003, lr  }
0x1b: {  	s9 =	sadd.s32 $0xFFFFFEF7, lr;
	s5 =	simm.s32 $0xFFFFFFFF;
	p2 =	slt.u32 s8, $0xFFFFF086  }
0x1c: {  	p1 =	slt.u32 s9, $0xF7A;
	s5 =	simm.s32 @!p2 $0x0  }
0x1d: {  	s5 =	simm.s32 @p1 $0x1;
	p0 =	seq.s32 s7, s2  }
0x1e: {  	s7 =	smul.u32 @!p0 $0xF7A, s2;
	p2 =	seq.s32 @!p0 s5, $0x0  }
0x1f: {  	s9 =	smul.u32 $0xF7A, s1;
	s8 =	simm.s32 @!p0 $0x1BF5;
	p2 =	por !p2, p0  }
0x20: {  	[sflag:s8] =	ssyncset.s32 @!p0 $0xFFFFF086;
	s6 =	sadd.s32 @!p0 s3, s7;
	s7 =	simm.s32 @!p0 $0x108  }
0x21: {  	s3 =	sadd.s32 s3, s9;
	s6 =	sadd.s32 @!p0 $0x88, s6;
	s7 =	simm.s32 @p2 $0x1082  }
0x22: {  	[simem:s7], [sflag:s8] =	dma.local @!p0 [hbm:s6], $0xF7A  }
0x23: {  	s9 =	sor.u32 $0xD0000000, s2;
	s6 =	simm.s32 $0x108;
	_ =	swait.ge @!p0 [sflag:s8], $0x0  }
0x24: {  	s3 =	sadd.s32 $0x88, s3;
	s6 =	simm.s32 @!p1 $0x1082;
	[sflag:s4] =	ssyncset.s32 $0xFFFFF086  }
0x25: {  	[simem:s6], [sflag:s4] =	dma.local [hbm:s3], $0xF7A  }
0x26: {  	[smem:$0x3F9F] =	sst s1;
	(tag) =	ssettag s2;
	_ =	strace s9  }
0x27: {  	s1 =	sld [smem:$0x3FAF]  }
0x28: {  	s2 =	sld [smem:$0x3FB0]  }
0x29: {  	s4 =	sld [smem:$0x3FB2]  }
0x2a: {  	p0 =	seq.s32 s5, $0x0;
	s5 =	sld [smem:$0x3FB3]  }
0x2b: {  	s6 =	sld [smem:$0x3FB4]  }
0x2c: {  	s7 =	sld [smem:$0x3FB5]  }
0x2d: {  	s3 =	simm.s32 $0x108;
	s8 =	sld [smem:$0x3FB6]  }
0x2e: {  	s3 =	simm.s32 @!p0 $0x1082;
	s9 =	sld [smem:$0x3FB7]  }
0x2f: {  	lr =	sadd.s32 s0, s3;
	s0 =	sld [smem:$0x3FAE]  }
0x30: {  	s3 =	sld [smem:$0x3FB1]  }
0x31: {  	[smem:$0x3FBA] =	sst s10  }
0x32: {  	s10 =	sld [smem:$0x3FB8];
	_ =	sdelay $0x3  }
0x33: {  	p0 =	seq.s32 s10, $0x1;
	s10 =	sld [smem:$0x3FBA];
	_ =	sdelay $0x3  }
0x34: {  	[smem:$0x3FBA] =	sst s10  }
0x35: {  	s10 =	sld [smem:$0x3FB9];
	_ =	sdelay $0x3  }
0x36: {  	p1 =	seq.s32 s10, $0x1;
	s10 =	sld [smem:$0x3FBA];
	_ =	sdelay $0x3  }
0x37: {  	[smem:$0x3FBA] =	sst s10  }
0x38: {  	s10 =	sld [smem:$0x3FBB]  }
0x39: {  	_ = 	snop;
	(pc) =	sbr.ind lr, $3  }
0x3a: {  	_ = 	snop  }
0x3b: {  	_ = 	snop  }
0x3c: {  	p2 =	seq.s32 s10, $0x1;
	s10 =	sld [smem:$0x3FBA]  }
0x3d: {  	_ =	shalt  }
0x3e: {  	_ =	shalt  }
0x3f: {  	_ =	shalt  }
0x40: {  	_ =	shalt  }
0x41: {  	_ =	shalt  }
0x42: {  	_ =	shalt  }
0x43: {  	_ =	shalt  }
0x44: {  	_ =	shalt  }
0x45: {  	_ =	shalt  }
0x46: {  	_ =	shalt  }
0x47: {  	_ =	shalt  }
0x48: {  	_ =	shalt  }
0x49: {  	_ =	shalt  }
0x4a: {  	_ =	shalt  }
0x4b: {  	_ =	shalt  }
0x4c: {  	_ =	shalt  }
0x4d: {  	_ =	shalt  }
0x4e: {  	_ =	shalt  }
0x4f: {  	_ =	shalt  }
0x50: {  	_ =	shalt  }
0x51: {  	_ =	shalt  }
0x52: {  	_ =	shalt  }
0x53: {  	_ =	shalt  }
0x54: {  	_ =	shalt  }
0x55: {  	_ =	shalt  }
0x56: {  	_ =	shalt  }
0x57: {  	_ =	shalt  }
0x58: {  	_ =	shalt  }
0x59: {  	_ =	shalt  }
0x5a: {  	_ =	shalt  }
0x5b: {  	_ =	shalt  }
0x5c: {  	_ =	shalt  }
0x5d: {  	_ =	shalt  }
0x5e: {  	_ =	shalt  }
0x5f: {  	_ =	shalt  }
0x60: {  	_ =	shalt  }
0x61: {  	_ =	shalt  }
0x62: {  	_ =	shalt  }
0x63: {  	_ =	shalt  }
0x64: {  	_ =	shalt  }
0x65: {  	_ =	shalt  }
0x66: {  	_ =	shalt  }
0x67: {  	_ =	shalt  }
0x68: {  	_ =	shalt  }
0x69: {  	_ =	shalt  }
0x6a: {  	_ =	shalt  }
0x6b: {  	_ =	shalt  }
0x6c: {  	_ =	shalt  }
0x6d: {  	_ =	shalt  }
0x6e: {  	_ =	shalt  }
0x6f: {  	_ =	shalt  }
0x70: {  	_ =	shalt  }
0x71: {  	_ =	shalt  }
0x72: {  	_ =	shalt  }
0x73: {  	_ =	shalt  }
0x74: {  	_ =	shalt  }
0x75: {  	_ =	shalt  }
0x76: {  	_ =	shalt  }
0x77: {  	_ =	shalt  }
0x78: {  	_ =	shalt  }
0x79: {  	_ =	shalt  }
0x7a: {  	_ =	shalt  }
0x7b: {  	_ =	shalt  }
0x7c: {  	_ =	shalt  }
0x7d: {  	_ =	shalt  }
0x7e: {  	_ =	shalt  }
0x7f: {  	_ =	shalt  }
0x80: {  	_ =	shalt  }
0x81: {  	_ =	shalt  }
0x82: {  	_ =	shalt  }
0x83: {  	_ =	shalt  }
0x84: {  	_ =	shalt  }
0x85: {  	_ =	shalt  }
0x86: {  	_ =	shalt  }
0x87: {  	_ =	shalt  }
.Lfunc_end0:
.L_simem_size_0:
called_computation_lowered:
.L_overlay_start_0:
0x88: {  	s2 =	sld [smem:$0x3FD9]  }
0x89: {  	s3 =	sld [smem:$0x3FFE];
	_ =	sdelay $0x1  }
0x8a: {  	s1 =	srdreg.scid  }
0x8b: {  	s0 =	sand.u32 $0x1, s1  }
0x8c: {  	s18 =	sshll.u32 s0, $0xA;
	s2 =	sadd.s32 s3, s2  }
0x8d: {  	s2 =	sadd.s32 s2, s18  }
0x8e: {  	[smem:$0x3FC6] =	sst s2  }
0x8f: {  	_ = 	snop  }
0x90: {  	s2 =	sld [smem:$0x3FC9]  }
0x91: {  	s19 =	sld [smem:$0x3FC8]  }
0x92: {  	s4 =	sld [smem:$0x3FD0];
	(tm) =	ssettm $0x1  }
0x93: {  	s5 =	sld [smem:$0x3FFB];
	_ =	sdelay $0x3  }
0x94: {  	_ =	strace s5  }
0x95: {  	s5 =	sld [smem:$0x3FFC];
	_ =	sdelay $0x3  }
0x96: {  	_ =	strace s5  }
0x97: {  	s5 =	sld [smem:$0x3FFD];
	_ =	sdelay $0x3  }
0x98: {  	_ =	strace s5  }
0x99: {  	_ =	strace $0x8FFFFFFF  }
0x9a: {  	s20 =	sld [smem:$0x3FDB];
	_ =	sdelay $0x1  }
0x9b: {  	s6 =	simm.s32 $_scs_section_size  }
0x9c: {  	s7 =	simm.s32 $_size__tile_overlayer_lowered;
	s8 =	simm.s32 $_tile_overlayer_lowered  }
0x9d: {  	s23 =	simm.s32 $0x1BFF;
	s22 =	sshll.u32 s8, $0x1;
	s5 =	sadd.s32 s6, s20  }
0x9e: {  	s9 =	simm.s32 $0x0;
	s21 =	sshll.u32 s7, $0x1;
	s7 =	sadd.s32 s22, s5  }
0x9f: {  	[timem:s9], [sflag:s23] =	dma.local [hbm:s7], s21  }
0xa0: {  	_ =	swait.ge [sflag:s23], s21  }
0xa1: {  	s6 =	ssub.s32 $0x0, s21;
	[sflag:s23] =	ssyncset.done $0x0  }
0xa2: {  	[sflag:s23] =	ssyncadd.s32 s6;
	_ =	sdelay $0x1  }
0xa3: {  	s24 =	simm.s32 $0x1B8B  }
0xa4: {  	_ =	swait.ge [sflag:s24], $0x1  }
0xa5: {  	[sflag:s24] =	ssyncset.done $0x0  }
0xa6: {  	s25 =	simm.s32 $0x1B8E;
	[sflag:s24] =	ssyncadd.s32 $0xFFFFFFFF  }
0xa7: {  	s26 =	simm.s32 $execute0_lowered;
	[smem:$0x3FD2] =	sst s25  }
0xa8: {  	s6 =	sshll.u32 s26, $0x1;
	_ =	strace $0x80000046;
	[dreg:$0x1] =	wrdreg $0xFFFFFFFF  }
0xa9: {  	s28 =	simm.s32 $_size_execute0_lowered;
	s5 =	sadd.s32 s5, s6;
	[dreg:$0x0] =	wrdreg $0x0  }
0xaa: {  	s6 =	sshll.u32 s28, $0x1;
	[dreg:$0x2] =	wrdreg s5  }
0xab: {  	[dreg:$0x3] =	wrdreg s6  }
0xac: {  	[dreg:$0x4] =	wrdreg $0xC0  }
0xad: {  	_ =	task [dreg:s9], $0x5FFFF  }
0xae: {  	[dreg:$0x1] =	wrdreg $0xFFFFFFFF  }
0xaf: {  	[dreg:$0x0] =	wrdreg $0x60  }
0xb0: {  	[dreg:$0x2] =	wrdreg s2  }
0xb1: {  	[dreg:$0x3] =	wrdreg s19  }
0xb2: {  	[dreg:$0x4] =	wrdreg s4  }
0xb3: {  	[dreg:$0x5] =	wrdreg $0x186000  }
0xb4: {  	[dreg:$0x6] =	wrdreg $0x9  }
0xb5: {  	_ =	task.clear_ibuf [dreg:s9], $0x7FFFF;
	_ =	strace $0x90000046  }
0xb6: {  	s29 =	simm.s32 $0x9;
	_ =	strace $0x80000048  }
0xb7: {  	_ =	swait.ge [sflag:s29], $0x1  }
0xb8: {  	[sflag:s29] =	ssyncadd.s32 $0xFFFFFFFF  }
0xb9: {  	_ =	strace $0x90000048  }
0xba: {  	_ =	sfence  }
0xbb: {  	s30 =	sld [smem:$0x0];
	_ =	sdelay $0x2  }
0xbc: {  	s31 =	sshll.u32 s1, $0xD;
	s1 =	sshrl.u32 s1, $0x2  }
0xbd: {  	s3 =	sand.u32 $0x4000, s31;
	s1 =	sadd.s32 s1, s30  }
0xbe: {  	s0 =	sor.u32 s3, s0;
	s1 =	sshll.u32 s1, $0x11  }
0xbf: {  	s0 =	sor.u32 s1, s0  }
0xc0: {  	s0 =	sadd.s32 $0x8F2B, s0  }
0xc1: {  	[sflag:s0] =	ssyncadd.remote.s32 $0x1  }
0xc2: {  	_ =	sfence.sel $0xFFFF  }
0xc3: {  	[dreg:$0x0] =	wrdreg $0xFFFFFFFF;
	(pc) =	sbr.abs _section_cstart, $3  }
0xc4: {  	[dreg:$0x1] =	wrdreg $0xFFFFFFFF  }
0xc5: {  	_ =	task.clear_ibuf [dreg:s9], $0x2FFFF;
	_ =	strace $0x9FFFFFFF  }
0xc6: {  	(tm) =	ssettm $0x7FFFFFFF  }
0xc7: {  	_ =	shalt  }
tec
execute0_lowered:
.L_overlay_start_1:
0x0: {  	(tag) =	ssettag $0x1  }
0x1: {  	s2 =	srdreg.scid;
	s1 =	rddreg [dreg:$0x0]  }
0x2: {  	s0 =	stileid.u32;
	s5 =	rddreg [dreg:$0x3];
	s3 =	sand.u32 $0x1, s2  }
0x3: {  	s6 =	simm.s32 $0x1;
	s18 =	simm.s32 $0x0;
	s4 =	sor.u32 s3, s0  }
0x4: {  	s22 =	simm.s32 $0x8000;
	p1 =	seq.s32 s3, $0x1;
	p0 =	seq.s32 s4, $0x0  }
0x5: {  	s21 =	simm.s32 $0x6;
	[smem:$0x7FF] =	sst s18;
	p0 =	por !p0, !p1  }
0x6: {  	s24 =	smul.u32 $0x1800, s0;
	s3 =	ssub.s32 $0x2, s3;
	p0 =	por !p0, !p0  }
0x7: {  	s4 =	rddreg [dreg:$0x2];
	_ =	strace $0x80000047;
	s6 =	simm.s32 @!p0 $0x0  }
0x8: {  	s9 =	sshrl.u32 s3, $0x1;
	s26 =	sshrl.u32 s24, $0x2;
	s7 =	ssub.s32 s0, s6  }
0x9: {  	s25 =	ssub.s32 s3, s9;
	s3 =	sadd.s32 s26, s5;
	s2 =	sadd.s32 s2, s7  }
0xa: {  	[dreg:$0x5] =	wrdreg s3;
	s31 =	sshll.u32 s7, $0x13;
	s8 =	sand.u32 $0x1, s2  }
.Ltmp0:
0xb: {  	s2 =	smax.u32 s25, $0x1;
	[dreg:$0xa] =	wrdreg s31;
	(pc) =	sbr.rel .LBB2_1-.Ltmp0, $4  }
0xc: {  	s28 =	sshll.u32 s8, $0x1;
	[dreg:$0x8] =	wrdreg s2;
	s30 =	sshll.u32 s8, $0xA  }
0xd: {  	s24 =	simm.s32 $0x8;
	s11 =	sxor.u32 $0x3, s28;
	[dreg:$0x9] =	wrdreg s30  }
0xe: {  	v2 =	vimm.f32 $0.0e+00;
	s29 =	sadd.s32 $0x1, s7;
	s20 =	sshll.u32 s11, $0xA;
	[dreg:$0x6] =	wrdreg s11  }
0xf: {  	v3 =	vimm.s32 $0x0;
	s3 =	simm.s32 $0x0;
	s19 =	sshll.u32 s7, $0xC;
	v0 =	vmov s7;
	v1 =	vmov s29;
	[dreg:$0x7] =	wrdreg s20  }
.LBB2_24:
0x10: {  	[sflag:s21] =	ssyncadd.s32 $0xFFFFF400  }
.LBB2_25:
0x11: {  	s3 =	sadd.s32 $0x1, s3;
	s2 =	rddreg [dreg:$0x8]  }
0x12: {  	p0 =	sne.s32 s3, s2  }
.Ltmp1:
0x13: {  	_ = 	snop;
	(pc) =	sbr.rel @!p0 .LBB2_26-.Ltmp1, $1  }
0x14: {  	_ =	sdelay $0x3  }
.LBB2_1:
0x15: {  	s2 =	rddreg [dreg:$0x1]  }
0x16: {  	[tilespmem:s18], [sflag:$0x1] =	stream.linear.gather [hbm4b:s2+s18], $0x8000, $0x38;
	[tilespmem:$0x18C00] =	vst v63  }
0x17: {  	[tilespmem:$0x18000] =	vst v2  }
0x18: {  	[tilespmem:$0x18010] =	vst v2  }
0x19: {  	[tilespmem:$0x18020] =	vst v2  }
0x1a: {  	[tilespmem:$0x18030] =	vst v2  }
0x1b: {  	[tilespmem:$0x18040] =	vst v2  }
0x1c: {  	[tilespmem:$0x18050] =	vst v2  }
0x1d: {  	[tilespmem:$0x18060] =	vst v2  }
0x1e: {  	[tilespmem:$0x18070] =	vst v2  }
0x1f: {  	[tilespmem:$0x18080] =	vst v2  }
0x20: {  	[tilespmem:$0x18090] =	vst v2  }
0x21: {  	[tilespmem:$0x180A0] =	vst v2  }
0x22: {  	[tilespmem:$0x180B0] =	vst v2  }
0x23: {  	[tilespmem:$0x180C0] =	vst v2  }
0x24: {  	[tilespmem:$0x180D0] =	vst v2  }
0x25: {  	[tilespmem:$0x180E0] =	vst v2  }
0x26: {  	[tilespmem:$0x180F0] =	vst v2  }
0x27: {  	[tilespmem:$0x18100] =	vst v2  }
0x28: {  	[tilespmem:$0x18110] =	vst v2  }
0x29: {  	[tilespmem:$0x18120] =	vst v2  }
0x2a: {  	[tilespmem:$0x18130] =	vst v2  }
0x2b: {  	[tilespmem:$0x18140] =	vst v2  }
0x2c: {  	[tilespmem:$0x18150] =	vst v2  }
0x2d: {  	[tilespmem:$0x18160] =	vst v2  }
0x2e: {  	[tilespmem:$0x18170] =	vst v2  }
0x2f: {  	[tilespmem:$0x18180] =	vst v2  }
0x30: {  	[tilespmem:$0x18190] =	vst v2  }
0x31: {  	[tilespmem:$0x181A0] =	vst v2  }
0x32: {  	[tilespmem:$0x181B0] =	vst v2  }
0x33: {  	[tilespmem:$0x181C0] =	vst v2  }
0x34: {  	[tilespmem:$0x181D0] =	vst v2  }
0x35: {  	[tilespmem:$0x181E0] =	vst v2  }
0x36: {  	[tilespmem:$0x181F0] =	vst v2  }
0x37: {  	[tilespmem:$0x18200] =	vst v2  }
0x38: {  	[tilespmem:$0x18210] =	vst v2  }
0x39: {  	[tilespmem:$0x18220] =	vst v2  }
0x3a: {  	[tilespmem:$0x18230] =	vst v2  }
0x3b: {  	[tilespmem:$0x18240] =	vst v2  }
0x3c: {  	[tilespmem:$0x18250] =	vst v2  }
0x3d: {  	[tilespmem:$0x18260] =	vst v2  }
0x3e: {  	[tilespmem:$0x18270] =	vst v2  }
0x3f: {  	[tilespmem:$0x18280] =	vst v2  }
0x40: {  	[tilespmem:$0x18290] =	vst v2  }
0x41: {  	[tilespmem:$0x182A0] =	vst v2  }
0x42: {  	[tilespmem:$0x182B0] =	vst v2  }
0x43: {  	[tilespmem:$0x182C0] =	vst v2  }
0x44: {  	[tilespmem:$0x182D0] =	vst v2  }
0x45: {  	[tilespmem:$0x182E0] =	vst v2  }
0x46: {  	[tilespmem:$0x182F0] =	vst v2  }
0x47: {  	[tilespmem:$0x18300] =	vst v2  }
0x48: {  	[tilespmem:$0x18310] =	vst v2  }
0x49: {  	[tilespmem:$0x18320] =	vst v2  }
0x4a: {  	[tilespmem:$0x18330] =	vst v2  }
0x4b: {  	[tilespmem:$0x18340] =	vst v2  }
0x4c: {  	[tilespmem:$0x18350] =	vst v2  }
0x4d: {  	[tilespmem:$0x18360] =	vst v2  }
0x4e: {  	[tilespmem:$0x18370] =	vst v2  }
0x4f: {  	[tilespmem:$0x18380] =	vst v2  }
0x50: {  	[tilespmem:$0x18390] =	vst v2  }
0x51: {  	[tilespmem:$0x183A0] =	vst v2  }
0x52: {  	[tilespmem:$0x183B0] =	vst v2  }
0x53: {  	[tilespmem:$0x183C0] =	vst v2  }
0x54: {  	[tilespmem:$0x183D0] =	vst v2  }
0x55: {  	[tilespmem:$0x183E0] =	vst v2  }
0x56: {  	[tilespmem:$0x183F0] =	vst v2  }
0x57: {  	[tilespmem:$0x18400] =	vst v2  }
0x58: {  	[tilespmem:$0x18410] =	vst v2  }
0x59: {  	[tilespmem:$0x18420] =	vst v2  }
0x5a: {  	[tilespmem:$0x18430] =	vst v2  }
0x5b: {  	[tilespmem:$0x18440] =	vst v2  }
0x5c: {  	[tilespmem:$0x18450] =	vst v2  }
0x5d: {  	[tilespmem:$0x18460] =	vst v2  }
0x5e: {  	[tilespmem:$0x18470] =	vst v2  }
0x5f: {  	[tilespmem:$0x18480] =	vst v2  }
0x60: {  	[tilespmem:$0x18490] =	vst v2  }
0x61: {  	[tilespmem:$0x184A0] =	vst v2  }
0x62: {  	[tilespmem:$0x184B0] =	vst v2  }
0x63: {  	[tilespmem:$0x184C0] =	vst v2  }
0x64: {  	[tilespmem:$0x184D0] =	vst v2  }
0x65: {  	[tilespmem:$0x184E0] =	vst v2  }
0x66: {  	[tilespmem:$0x184F0] =	vst v2  }
0x67: {  	[tilespmem:$0x18500] =	vst v2  }
0x68: {  	[tilespmem:$0x18510] =	vst v2  }
0x69: {  	[tilespmem:$0x18520] =	vst v2  }
0x6a: {  	[tilespmem:$0x18530] =	vst v2  }
0x6b: {  	[tilespmem:$0x18540] =	vst v2  }
0x6c: {  	[tilespmem:$0x18550] =	vst v2  }
0x6d: {  	[tilespmem:$0x18560] =	vst v2  }
0x6e: {  	[tilespmem:$0x18570] =	vst v2  }
0x6f: {  	[tilespmem:$0x18580] =	vst v2  }
0x70: {  	[tilespmem:$0x18590] =	vst v2  }
0x71: {  	[tilespmem:$0x185A0] =	vst v2  }
0x72: {  	[tilespmem:$0x185B0] =	vst v2  }
0x73: {  	[tilespmem:$0x185C0] =	vst v2  }
0x74: {  	[tilespmem:$0x185D0] =	vst v2  }
0x75: {  	[dreg:$0xb] =	wrdreg s3;
	[tilespmem:$0x185E0] =	vst v2  }
0x76: {  	s28 =	rddreg [dreg:$0x5];
	s29 =	simm.s32 $0x18000;
	s30 =	simm.s32 $0x7;
	[tilespmem:$0x185F0] =	vst v2  }
0x77: {  	[spmem:s28] =	stream.linear.scatter [tilespmem:s29], [sflag:$0x7], $0x600, $0x38;
	[tilespmem:$0x18C00] =	vst v63  }
0x78: {  	_ =	swait.ge [sflag:s30], $0x600  }
0x79: {  	[sflag:s30] =	ssyncset.done $0x0  }
0x7a: {  	[sflag:s30] =	ssyncadd.s32 $0xFFFFFA00  }
0x7b: {  	s31 =	simm.s32 $0x1;
	[bflag:$0x0] =	sbarrier.arrive $0xFFFF  }
0x7c: {  	_ =	swait.ge [sflag:s31], $0x8000  }
0x7d: {  	s9 =	simm.s32 $0x800;
	s6 =	simm.s32 $0x800;
	[sflag:s31] =	ssyncset.done $0x0  }
0x7e: {  	s3 =	simm.s32 $0xA;
	s2 =	simm.s32 $0x0;
	[sflag:s31] =	ssyncadd.s32 $0xFFFF8000  }
.LBB2_2:
0x7f: {  	s10 =	smov.u32 s9  }
0x80: {  	p0 =	sne.s32 s3, $0x1;
	s9 =	sand.u32 $0x1, s6  }
0x81: {  	p1 =	slt.s32 s6, $0x1;
	p2 =	seq.s32 s9, $0x1  }
0x82: {  	s9 =	sshrl.u32 s6, $0x1F;
	p1 =	por !p1, !p2  }
0x83: {  	s6 =	sadd.s32 s9, s6;
	s9 =	simm.s32 $0x1;
	p1 =	por !p1, !p1  }
0x84: {  	s6 =	sshra.s32 s6, $0x1;
	s9 =	simm.s32 @!p1 $0x0  }
0x85: {  	s9 =	ssub.s32 s6, s9  }
0x86: {  	s6 =	sshll.u32 s9, $0x6  }
0x87: {  	s6 =	sshra.s32 s6, $0x2  }
0x88: {  	v4 =	vld [tilespmem:s6+$0x0];
	_ =	sdelay $0x4  }
0x89: {  	(v2sf) =	vpush v4, $0x0;
	_ =	sdelay $0xd  }
.Ltmp2:
0x8a: {  	(pc) =	sbr.rel @p0 .LBB2_2-.Ltmp2, $4  }
0x8b: {  	s6 =	spop (v2sf)  }
0x8c: {  	p1 =	slt.s32 s6, s7;
	s6 =	sadd.s32 $0x1, s9  }
0x8d: {  	s2 =	smov.u32 @p1 s6;
	s9 =	smov.u32 @p1 s10  }
0x8e: {  	s3 =	sadd.s32 $0xFFFFFFFF, s3;
	s6 =	sadd.s32 s2, s9  }
0x8f: {  	s3 =	sand.u32 $0x1, s6  }
0x90: {  	p0 =	slt.s32 s6, $0x1;
	p1 =	seq.s32 s3, $0x1  }
0x91: {  	s29 =	sshrl.u32 s6, $0x1F;
	p0 =	por !p0, !p1  }
0x92: {  	s3 =	sadd.s32 s29, s6;
	s6 =	simm.s32 $0x1;
	p0 =	por !p0, !p0  }
0x93: {  	s3 =	sshra.s32 s3, $0x1;
	s6 =	simm.s32 @!p0 $0x0  }
0x94: {  	s3 =	ssub.s32 s3, s6  }
0x95: {  	s6 =	sshll.u32 s3, $0x6  }
0x96: {  	s6 =	sshra.s32 s6, $0x2  }
0x97: {  	v4 =	vld [tilespmem:s6+$0x0];
	_ =	sdelay $0x4  }
0x98: {  	(v2sf) =	vpush v4, $0x0;
	_ =	sdelay $0xe  }
0x99: {  	s30 =	spop (v2sf)  }
0x9a: {  	s3 =	sadd.s32 $0x1, s3;
	p0 =	slt.s32 s30, s7  }
0x9b: {  	s2 =	smov.u32 @p0 s3  }
0x9c: {  	p0 =	sgt.s32 s2, $0x1;
	s3 =	smov.u32 s2  }
0x9d: {  	s3 =	simm.s32 @!p0 $0x1  }
0x9e: {  	s14 =	simm.s32 $0x0;
	s9 =	simm.s32 $0x800;
	s31 =	sshll.u32 s3, $0x4  }
0x9f: {  	s10 =	simm.s32 $0xA;
	s6 =	simm.s32 $0x800;
	s3 =	sadd.s32 $0xFFFFFFF0, s31;
	v4 =	vld [tilespmem:s31+$0xFFFFFFF0]  }
.LBB2_4:
0xa0: {  	s15 =	smov.u32 s14  }
0xa1: {  	p0 =	sne.s32 s10, $0x1;
	s14 =	sand.u32 $0x1, s6  }
0xa2: {  	p1 =	slt.s32 s6, $0x1;
	p2 =	seq.s32 s14, $0x1  }
0xa3: {  	s14 =	sshrl.u32 s6, $0x1F;
	p1 =	por !p1, !p2  }
0xa4: {  	s6 =	sadd.s32 s14, s6;
	s14 =	simm.s32 $0x1;
	p1 =	por !p1, !p1  }
0xa5: {  	s6 =	sshra.s32 s6, $0x1;
	s14 =	simm.s32 @!p1 $0x0  }
0xa6: {  	s6 =	ssub.s32 s6, s14  }
0xa7: {  	s14 =	sshll.u32 s6, $0x6  }
0xa8: {  	s14 =	sshra.s32 s14, $0x2  }
0xa9: {  	v5 =	vld [tilespmem:s14+$0x0];
	_ =	sdelay $0x4  }
0xaa: {  	(v2sf) =	vpush v5, $0x0;
	_ =	sdelay $0xd  }
.Ltmp3:
0xab: {  	(pc) =	sbr.rel @p0 .LBB2_4-.Ltmp3, $4  }
0xac: {  	s14 =	spop (v2sf)  }
0xad: {  	p1 =	sgt.s32 s14, s7;
	s14 =	sadd.s32 $0x1, s6  }
0xae: {  	s14 =	smov.u32 @p1 s15;
	s9 =	smov.u32 @p1 s6  }
0xaf: {  	s10 =	sadd.s32 $0xFFFFFFFF, s10;
	s6 =	sadd.s32 s14, s9  }
0xb0: {  	s9 =	sand.u32 $0x1, s6  }
0xb1: {  	p0 =	slt.s32 s6, $0x1;
	p1 =	seq.s32 s9, $0x1  }
0xb2: {  	s29 =	sshrl.u32 s6, $0x1F;
	p0 =	por !p0, !p1  }
0xb3: {  	s6 =	sadd.s32 s29, s6;
	s9 =	simm.s32 $0x1;
	p0 =	por !p0, !p0  }
0xb4: {  	s6 =	sshra.s32 s6, $0x1;
	s9 =	simm.s32 @!p0 $0x0  }
0xb5: {  	s6 =	ssub.s32 s6, s9  }
0xb6: {  	s9 =	sshll.u32 s6, $0x6  }
0xb7: {  	s9 =	sshra.s32 s9, $0x2  }
0xb8: {  	v5 =	vld [tilespmem:s9+$0x0];
	_ =	sdelay $0x4  }
0xb9: {  	(v2sf) =	vpush v5, $0x0;
	_ =	sdelay $0xe  }
0xba: {  	s30 =	spop (v2sf)  }
0xbb: {  	s6 =	sadd.s32 $0x1, s6;
	p0 =	sgt.s32 s30, s7  }
0xbc: {  	s6 =	smov.u32 @p0 s14  }
0xbd: {  	p1 =	sgt.s32 s6, $0x1  }
0xbe: {  	p0 =	seq.s32 s6, $0x0;
	s6 =	simm.s32 @!p1 $0x1  }
0xbf: {  	s6 =	sshll.u32 s6, $0x4  }
0xc0: {  	v5 =	vld [tilespmem:s6+$0xFFFFFFF0];
	_ =	sdelay $0x3  }
0xc1: {  	vm0 =	vlt.s32 v4, v0  }
0xc2: {  	v4 =	vsel vm0, $0x1, v3;
	vm15 =	vlt.s32 v5, v1  }
0xc3: {  	(xrf0) =	vadd.scan.msk.s32 $0xffff, v4;
	v4 =	vsel vm15, $0x1, v3  }
0xc4: {  	(xrf0) =	vadd.scan.msk.s32 $0xffff, v4;
	_ =	sdelay $0x4  }
0xc5: {  	v4, _, _ =	vpop (xrf0)  }
0xc6: {  	(v2sf) =	vpush v4, $0xF;
	v4, _, _ =	vpop (xrf0)  }
0xc7: {  	(v2sf) =	vpush v4, $0xF;
	_ =	sdelay $0xd  }
0xc8: {  	s31 =	spop (v2sf)  }
0xc9: {  	p1 =	seq.s32 s2, $0x0;
	s6 =	sadd.s32 $0xFFFFFFF0, s6;
	s10 =	spop (v2sf)  }
.Ltmp4:
0xca: {  	s28 =	sadd.s32 s3, s31;
	s2 =	sadd.s32 s6, s10;
	(pc) =	sbr.rel .LBB2_6-.Ltmp4, $4  }
0xcb: {  	s28 =	simm.s32 @p1 $0x0;
	s2 =	simm.s32 @p0 $0x0  }
0xcc: {  	s25 =	ssub.s32 s2, s28  }
0xcd: {  	s23 =	simm.s32 $0x0;
	p0 =	slt.s32 s25, $0x1000  }
0xce: {  	p1 =	por $0x1, $0x1;
	s2 =	simm.s32 $0x0;
	s25 =	simm.s32 @!p0 $0x1000  }
.LBB2_9:
0xcf: {  	[hbm:s14], [sflag:s6] =	dma.local [spmem:s9], $0xC00  }
.LBB2_10:
.Ltmp5:
0xd0: {  	(pc) =	sbr.rel @!p0 .LBB2_11-.Ltmp5, $2  }
0xd1: {  	_ =	sdelay $0x2  }
0xd2: {  	s23 =	sadd.s32 s23, s2;
	p1 =	por $0x0, $0x0;
	s2 =	smov.u32 s11  }
.LBB2_6:
0xd3: {  	s2 =	sadd.s32 s8, s2  }
0xd4: {  	s3 =	sshll.u32 s2, $0xA  }
0xd5: {  	s2 =	ssub.s32 s25, s3  }
0xd6: {  	p0 =	sgt.s32 s2, $0x0  }
0xd7: {  	p2 =	sgt.s32 s2, $0x3FF;
	s2 =	simm.s32 @!p0 $0x0  }
0xd8: {  	s6 =	smin.u32 s2, $0x400  }
0xd9: {  	s2 =	ssub.s32 $0x400, s6  }
0xda: {  	s9 =	smul.u32 $0xFFFFAAAB, s2;
	_ =	sdelay $0x1  }
0xdb: {  	s10 =	sand.u32 $0xFFC0, s9  }
0xdc: {  	s9 =	sshll.u32 s9, $0xA;
	s10 =	sshrl.u32 s10, $0x6  }
0xdd: {  	s9 =	sor.u32 s9, s10  }
0xde: {  	s9 =	sand.u32 $0xFFFF, s9  }
0xdf: {  	s2 =	sand.u32 $0xFFFF, s2;
	p6 =	sgt.u32 s9, $0x155  }
0xe0: {  	s2 =	smul.u32 $0x2AB, s2;
	p0 =	por !p2, !p6  }
0xe1: {  	s9 =	simm.s32 $0x1;
	p0 =	por !p0, !p0  }
0xe2: {  	s2 =	sshrl.u32 s2, $0x11;
	s9 =	simm.s32 @!p0 $0x0  }
0xe3: {  	s2 =	ssub.s32 s2, s9  }
0xe4: {  	p2 =	slt.s32 s2, $0x1  }
.Ltmp6:
0xe5: {  	_ = 	snop;
	(pc) =	sbr.rel @p2 .LBB2_10-.Ltmp6, $2  }
0xe6: {  	_ =	sdelay $0x2  }
0xe7: {  	p0 =	por p1, p1  }
0xe8: {  	p1 =	sgt.s32 s2, $0x1  }
.Ltmp7:
0xe9: {  	s6 =	sadd.s32 s6, s19;
	(pc) =	sbr.rel @!p1 .LBB2_9-.Ltmp7, $4  }
0xea: {  	s3 =	sadd.s32 s3, s6  }
0xeb: {  	s15 =	sshll.u32 s0, $0x6;
	s6 =	sshll.u32 s3, $0x4  }
0xec: {  	s3 =	simm.s32 $0x1;
	s9 =	sand.u32 $0x1FFFFFF0, s6;
	s10 =	sadd.s32 $0xC00, s6  }
0xed: {  	s6 =	sor.u32 $0x1C06, s15;
	s14 =	sadd.s32 s4, s9;
	s9 =	sshrl.u32 s5, $0x3  }
.LBB2_8:
0xee: {  	[hbm:s14], [sflag:s6] =	dma.local [spmem:s9], $0xC00  }
0xef: {  	s3 =	sadd.s32 $0x1, s3  }
0xf0: {  	p1 =	slt.s32 s3, s2  }
.Ltmp8:
0xf1: {  	(pc) =	sbr.rel @p1 .LBB2_8-.Ltmp8, $3  }
0xf2: {  	_ =	sdelay $0x1  }
0xf3: {  	s14 =	sand.u32 $0x1FFFFFF0, s10;
	s10 =	sadd.s32 $0xC00, s10  }
0xf4: {  	s14 =	sadd.s32 s4, s14  }
.Ltmp9:
0xf5: {  	_ = 	snop;
	(pc) =	sbr.rel .LBB2_9-.Ltmp9, $1  }
0xf6: {  	_ =	sdelay $0x3  }
.LBB2_11:
.Ltmp10:
0xf7: {  	(pc) =	sbr.rel .LBB2_12-.Ltmp10, $4  }
0xf8: {  	_ = 	snop  }
0xf9: {  	s2 =	rddreg [dreg:$0x9]  }
0xfa: {  	s31 =	sshll.u32 s28, $0x7;
	p2 =	por $0x1, $0x1;
	[dreg:$0xc] =	wrdreg s28  }
0xfb: {  	s26 =	ssub.s32 s25, s2;
	[dreg:$0xd] =	wrdreg s31;
	s2 =	simm.s32 $0x0  }
.LBB2_20:
0xfc: {  	s2 =	ssub.s32 $0x400, s29  }
0xfd: {  	s3 =	smul.u32 $0xFFFFAAAB, s2;
	_ =	sdelay $0x1  }
0xfe: {  	s6 =	sand.u32 $0xFFC0, s3  }
0xff: {  	s3 =	sshll.u32 s3, $0xA;
	s6 =	sshrl.u32 s6, $0x6  }
0x100: {  	s3 =	sor.u32 s3, s6  }
0x101: {  	s3 =	sand.u32 $0xFFFF, s3  }
0x102: {  	p1 =	sgt.s32 s30, $0x3FF;
	p2 =	sgt.u32 s3, $0x155  }
0x103: {  	s15 =	smul.u32 $0x2AB, s2;
	p1 =	por !p1, !p2  }
0x104: {  	s6 =	simm.s32 $0x1;
	p1 =	por !p1, !p1  }
0x105: {  	s3 =	sshrl.u32 s15, $0x11;
	s6 =	simm.s32 @!p1 $0x0  }
0x106: {  	s3 =	ssub.s32 s3, s6  }
0x107: {  	s3 =	smul.u32 $0xC0, s3;
	_ =	sdelay $0x1  }
0x108: {  	s16 =	ssub.s32 s2, s3  }
0x109: {  	s9 =	sadd.s32 s31, s29;
	s10 =	sand.u32 $0x80, s16  }
0x10a: {  	s3 =	sadd.s32 s3, s9;
	p2 =	seq.s32 s10, $0x0  }
0x10b: {  	s9 =	sshll.u32 @!p2 s3, $0x4  }
0x10c: {  	s12 =	sshll.u32 @!p2 s0, $0x6;
	s9 =	sand.u32 @!p2 $0x1FFFFFF0, s9  }
0x10d: {  	s13 =	sshrl.u32 @!p2 s5, $0x3;
	s12 =	sor.u32 @!p2 $0x1C08, s12;
	s9 =	sadd.s32 @!p2 s4, s9  }
0x10e: {  	[hbm:s9], [sflag:s12] =	dma.local @!p2 [spmem:s13], $0x800  }
0x10f: {  	s6 =	sand.u32 $0x40, s16;
	s9 =	simm.s32 @!p2 $0x8  }
0x110: {  	p1 =	seq.s32 s6, $0x0;
	s3 =	sadd.s32 s3, s10;
	_ =	swait.ge @!p2 [sflag:s9], $0x800  }
0x111: {  	s10 =	sshll.u32 @!p1 s3, $0x4;
	[sflag:s9] =	ssyncset.done @!p2 $0x0  }
0x112: {  	[sflag:s9] =	ssyncadd.s32 @!p2 $0xFFFFF800;
	s9 =	sand.u32 @!p1 $0x1FFFFFF0, s10;
	s10 =	sshll.u32 @!p1 s0, $0x6  }
0x113: {  	s12 =	sshrl.u32 @!p1 s5, $0x3;
	s9 =	sadd.s32 @!p1 s4, s9;
	s10 =	sor.u32 @!p1 $0x1C08, s10  }
0x114: {  	[hbm:s9], [sflag:s10] =	dma.local @!p1 [spmem:s12], $0x400  }
0x115: {  	s17 =	sand.u32 $0x20, s2;
	s9 =	simm.s32 @!p1 $0x8  }
0x116: {  	s3 =	sadd.s32 s6, s3;
	p2 =	seq.s32 s17, $0x0;
	_ =	swait.ge @!p1 [sflag:s9], $0x400  }
0x117: {  	s6 =	sshll.u32 @!p2 s3, $0x4;
	[sflag:s9] =	ssyncset.done @!p1 $0x0  }
0x118: {  	s6 =	sand.u32 @!p2 $0x1FFFFFF0, s6;
	[sflag:s9] =	ssyncadd.s32 @!p1 $0xFFFFFC00;
	s9 =	sshll.u32 @!p2 s0, $0x6  }
0x119: {  	s12 =	sshrl.u32 @!p2 s5, $0x3;
	s6 =	sadd.s32 @!p2 s4, s6;
	s9 =	sor.u32 @!p2 $0x1C08, s9  }
0x11a: {  	[hbm:s6], [sflag:s9] =	dma.local @!p2 [spmem:s12], $0x200  }
0x11b: {  	s29 =	sand.u32 $0x10, s2;
	s6 =	simm.s32 @!p2 $0x8  }
0x11c: {  	s3 =	sadd.s32 s17, s3;
	p1 =	seq.s32 s29, $0x0;
	_ =	swait.ge @!p2 [sflag:s6], $0x200  }
0x11d: {  	s10 =	sshll.u32 @!p1 s3, $0x4;
	[sflag:s6] =	ssyncset.done @!p2 $0x0  }
0x11e: {  	[sflag:s6] =	ssyncadd.s32 @!p2 $0xFFFFFE00;
	s6 =	sand.u32 @!p1 $0x1FFFFFF0, s10;
	s10 =	sshll.u32 @!p1 s0, $0x6  }
0x11f: {  	s12 =	sshrl.u32 @!p1 s5, $0x3;
	s6 =	sadd.s32 @!p1 s4, s6;
	s10 =	sor.u32 @!p1 $0x1C08, s10  }
0x120: {  	[hbm:s6], [sflag:s10] =	dma.local @!p1 [spmem:s12], $0x100  }
0x121: {  	s30 =	sand.u32 $0x8, s2;
	s6 =	simm.s32 @!p1 $0x8  }
0x122: {  	s3 =	sadd.s32 s29, s3;
	p2 =	seq.s32 s30, $0x0;
	_ =	swait.ge @!p1 [sflag:s6], $0x100  }
0x123: {  	s9 =	sshll.u32 @!p2 s3, $0x4;
	[sflag:s6] =	ssyncset.done @!p1 $0x0  }
0x124: {  	[sflag:s6] =	ssyncadd.s32 @!p1 $0xFFFFFF00;
	s6 =	sand.u32 @!p2 $0x1FFFFFF0, s9;
	s9 =	sshll.u32 @!p2 s0, $0x6  }
0x125: {  	s12 =	sshrl.u32 @!p2 s5, $0x3;
	s6 =	sadd.s32 @!p2 s4, s6;
	s9 =	sor.u32 @!p2 $0x1C08, s9  }
0x126: {  	[hbm:s6], [sflag:s9] =	dma.local @!p2 [spmem:s12], $0x80  }
0x127: {  	s31 =	sand.u32 $0x4, s2;
	s6 =	simm.s32 @!p2 $0x8  }
0x128: {  	s3 =	sadd.s32 s30, s3;
	p1 =	seq.s32 s31, $0x0;
	_ =	swait.ge @!p2 [sflag:s6], $0x80  }
0x129: {  	s10 =	sshll.u32 @!p1 s3, $0x4;
	[sflag:s6] =	ssyncset.done @!p2 $0x0  }
0x12a: {  	[sflag:s6] =	ssyncadd.s32 @!p2 $0xFFFFFF80;
	s6 =	sand.u32 @!p1 $0x1FFFFFF0, s10;
	s10 =	sshll.u32 @!p1 s0, $0x6  }
0x12b: {  	s12 =	sshrl.u32 @!p1 s5, $0x3;
	s6 =	sadd.s32 @!p1 s4, s6;
	s10 =	sor.u32 @!p1 $0x1C08, s10  }
0x12c: {  	[hbm:s6], [sflag:s10] =	dma.local @!p1 [spmem:s12], $0x40  }
0x12d: {  	s3 =	sadd.s32 s31, s3;
	s6 =	simm.s32 @!p1 $0x8;
	s10 =	sand.u32 $0x2, s2  }
0x12e: {  	s2 =	sand.u32 $0x1, s2;
	_ =	swait.ge @!p1 [sflag:s6], $0x40;
	p2 =	seq.s32 s10, $0x0  }
0x12f: {  	[sflag:s6] =	ssyncset.done @!p1 $0x0;
	s9 =	sshll.u32 @!p2 s3, $0x4;
	s12 =	sshrl.u32 @!p2 s5, $0x3  }
0x130: {  	[sflag:s6] =	ssyncadd.s32 @!p1 $0xFFFFFFC0;
	s6 =	sand.u32 @!p2 $0x1FFFFFF0, s9;
	s9 =	sshll.u32 @!p2 s0, $0x6  }
0x131: {  	p1 =	seq.s32 s2, $0x0;
	s6 =	sadd.s32 @!p2 s4, s6;
	s9 =	sor.u32 @!p2 $0x1C08, s9  }
0x132: {  	[hbm:s6], [sflag:s9] =	dma.local @!p2 [spmem:s12], $0x20  }
0x133: {  	s2 =	sadd.s32 @!p1 s10, s3;
	s6 =	simm.s32 @!p2 $0x8  }
0x134: {  	s3 =	sshll.u32 @!p1 s0, $0x6;
	s2 =	sshll.u32 @!p1 s2, $0x4;
	_ =	swait.ge @!p2 [sflag:s6], $0x20  }
0x135: {  	s3 =	sor.u32 @!p1 $0x1C07, s3;
	s2 =	sand.u32 @!p1 $0x1FFFFFF0, s2;
	[sflag:s6] =	ssyncset.done @!p2 $0x0  }
0x136: {  	s2 =	sadd.s32 @!p1 s4, s2;
	[sflag:s6] =	ssyncadd.s32 @!p2 $0xFFFFFFE0;
	s6 =	sshrl.u32 @!p1 s5, $0x3  }
0x137: {  	[hbm:s2], [sflag:s3] =	dma.local @!p1 [spmem:s6], $0x10  }
.Ltmp11:
0x138: {  	_ = 	snop;
	(pc) =	sbr.rel @!p0 .LBB2_21-.Ltmp11, $4  }
0x139: {  	s2 =	simm.s32 @!p1 $0x7  }
0x13a: {  	_ =	swait.ge @!p1 [sflag:s2], $0x10  }
0x13b: {  	s26 =	ssub.s32 s26, s20;
	[sflag:s2] =	ssyncset.done @!p1 $0x0  }
0x13c: {  	p2 =	por $0x0, $0x0;
	[sflag:s2] =	ssyncadd.s32 @!p1 $0xFFFFFFF0;
	s2 =	smov.u32 s11  }
.LBB2_12:
0x13d: {  	s9 =	sadd.s32 s8, s2  }
0x13e: {  	s6 =	sshll.u32 s9, $0xA  }
0x13f: {  	s30 =	ssub.s32 s25, s6  }
0x140: {  	p0 =	sgt.s32 s30, $0x0;
	s2 =	smov.u32 s30  }
0x141: {  	s2 =	simm.s32 @!p0 $0x0  }
0x142: {  	s29 =	smin.u32 s2, $0x400  }
0x143: {  	s2 =	sand.u32 $0xFF, s29  }
0x144: {  	p6 =	slt.s32 s30, $0x1;
	p1 =	sne.s32 s2, $0x0  }
0x145: {  	p0 =	por !p6, !p1  }
0x146: {  	s2 =	simm.s32 $0x1;
	p1 =	por !p0, !p0  }
0x147: {  	s3 =	sshrl.u32 s29, $0x8;
	s2 =	simm.s32 @!p1 $0x0  }
0x148: {  	s2 =	ssub.s32 s3, s2  }
0x149: {  	p3 =	sgt.u32 s2, $0xFFFFFFFD  }
.Ltmp12:
0x14a: {  	_ = 	snop;
	(pc) =	sbr.rel @p3 .LBB2_18-.Ltmp12, $2  }
0x14b: {  	_ =	sdelay $0x2  }
0x14c: {  	s31 =	sadd.s32 s19, s6;
	p0 =	por p2, p2;
	s3 =	sadd.s32 s28, s6  }
0x14d: {  	s6 =	sshll.u32 s3, $0x7;
	p2 =	seq.s32 s2, $0x0  }
0x14e: {  	s10 =	sshrl.u32 @!p2 s6, $0x3;
	s14 =	simm.s32 @!p2 $0x0;
	p3 =	seq.s32 @!p2 s2, $0x1  }
0x14f: {  	s15 =	simm.s32 @!p2 $0x8000;
	s10 =	sadd.s32 @!p2 s1, s10;
	p3 =	por p3, p2  }
0x150: {  	[tilespmem:s15], [sflag:$0x2] =	stream.linear.gather @!p2 [hbm4b:s10+s14], $0x8000, $0x38;
	[tilespmem:$0x18C00] =	vst v63  }
0x151: {  	p4 =	sgt.s32 s26, $0x0;
	s6 =	sadd.s32 @!p3 $0x8000, s6  }
0x152: {  	s10 =	smov.u32 s26;
	s16 =	simm.s32 @!p3 $0x0;
	s6 =	sshrl.u32 @!p3 s6, $0x3  }
0x153: {  	s17 =	simm.s32 @!p3 $0x10000;
	s10 =	simm.s32 @!p4 $0x0;
	s6 =	sadd.s32 @!p3 s1, s6  }
0x154: {  	[tilespmem:s17], [sflag:$0x3] =	stream.linear.gather @!p3 [hbm4b:s6+s16], $0x8000, $0x38;
	[tilespmem:$0x18C00] =	vst v63  }
0x155: {  	s17 =	smin.u32 s10, $0x400;
	s10 =	simm.s32 $0xFFFFFFFF  }
0x156: {  	s6 =	sshrl.u32 s17, $0x8;
	s10 =	simm.s32 @!p1 $0x0  }
0x157: {  	s6 =	sadd.s32 s10, s6  }
0x158: {  	s6 =	sadd.s32 $0x2, s6  }
0x159: {  	s6 =	sshrl.u32 s6, $0x1  }
0x15a: {  	p1 =	seq.s32 s6, $0x1  }
.Ltmp13:
0x15b: {  	s16 =	simm.s32 @!p2 $0x2;
	(pc) =	sbr.rel @p1 .LBB2_17-.Ltmp13, $4  }
0x15c: {  	s17 =	sshll.u32 s31, $0x7;
	_ =	swait.ge @!p2 [sflag:s16], $0x8000  }
0x15d: {  	[sflag:s16] =	ssyncset.done @!p2 $0x0;
	s10 =	sshrl.u32 @!p2 s17, $0x3  }
0x15e: {  	[sflag:s16] =	ssyncadd.s32 @!p2 $0xFFFF8000;
	s10 =	sadd.s32 @!p2 s4, s10  }
0x15f: {  	[hbm4b:s10+s14] =	stream.linear.scatter @!p2 [tilespmem:s15], [sflag:$0x4], $0x8000, $0x38;
	[tilespmem:$0x18C00] =	vst v63  }
0x160: {  	s11 =	smov.u32 s8;
	s8 =	smov.u32 s19  }
0x161: {  	s17 =	sshll.u32 s9, $0x11;
	s6 =	sadd.s32 $0xFFFFFFFF, s6;
	p1 =	sle.s32 s2, $0x2  }
0x162: {  	p2 =	slt.s32 s2, $0x2;
	s13 =	rddreg [dreg:$0xd];
	p3 =	sle.s32 s2, $0x3  }
0x163: {  	s10 =	sadd.s32 $0xFFFFFFFF, s6;
	s6 =	simm.s32 @!p1 $0x4;
	s9 =	sadd.s32 @!p1 s13, s17  }
0x164: {  	s14 =	simm.s32 @!p1 $0x8000;
	s15 =	simm.s32 @!p1 $0x0;
	_ =	swait.ge @!p1 [sflag:s6], $0x8000  }
0x165: {  	s18 =	sadd.s32 @!p3 s13, s17;
	s9 =	sadd.s32 @!p1 $0x10000, s9;
	s12 =	rddreg [dreg:$0xa]  }
0x166: {  	[sflag:s6] =	ssyncset.done @!p1 $0x0;
	s9 =	sshrl.u32 @!p1 s9, $0x3;
	s16 =	sadd.s32 @!p2 s12, s17  }
0x167: {  	[sflag:s6] =	ssyncadd.s32 @!p1 $0xFFFF8000;
	s6 =	sadd.s32 @!p1 s1, s9;
	s9 =	simm.s32 @!p2 $0x3  }
0x168: {  	[tilespmem:s14], [sflag:$0x2] =	stream.linear.gather @!p1 [hbm4b:s6+s15], $0x8000, $0x38;
	[tilespmem:$0x18C00] =	vst v63  }
0x169: {  	s19 =	simm.s32 @!p2 $0x0;
	s6 =	sadd.s32 @!p2 $0x8000, s16;
	_ =	swait.ge @!p2 [sflag:s9], $0x8000  }
0x16a: {  	s20 =	simm.s32 @!p2 $0x10000;
	s6 =	sshrl.u32 @!p2 s6, $0x3;
	[sflag:s9] =	ssyncset.done @!p2 $0x0  }
0x16b: {  	s16 =	sadd.s32 @!p1 s12, s17;
	s6 =	sadd.s32 @!p2 s4, s6;
	[sflag:s9] =	ssyncadd.s32 @!p2 $0xFFFF8000  }
0x16c: {  	[hbm4b:s6+s19] =	stream.linear.scatter @!p2 [tilespmem:s20], [sflag:$0x5], $0x8000, $0x38;
	[tilespmem:$0x18C00] =	vst v63  }
0x16d: {  	s9 =	simm.s32 @!p3 $0x5;
	s6 =	sadd.s32 @!p1 $0x10000, s16;
	s16 =	sadd.s32 @!p3 $0x18000, s18  }
0x16e: {  	s18 =	simm.s32 @!p3 $0x0;
	s19 =	simm.s32 @!p3 $0x10000;
	p2 =	sne.s32 s10, $0x0  }
.Ltmp14:
0x16f: {  	_ =	swait.ge @!p3 [sflag:s9], $0x8000;
	s16 =	sshrl.u32 @!p3 s16, $0x3;
	(pc) =	sbr.rel @!p2 .LBB2_16-.Ltmp14, $4  }
0x170: {  	s6 =	sshrl.u32 @!p1 s6, $0x3;
	[sflag:s9] =	ssyncset.done @!p3 $0x0;
	s16 =	sadd.s32 @!p3 s1, s16  }
0x171: {  	s6 =	sadd.s32 @!p1 s4, s6;
	[sflag:s9] =	ssyncadd.s32 @!p3 $0xFFFF8000;
	s9 =	simm.s32 $0x4  }
0x172: {  	[tilespmem:s19], [sflag:$0x3] =	stream.linear.gather @!p3 [hbm4b:s16+s18], $0x8000, $0x38;
	[tilespmem:$0x18C00] =	vst v63  }
0x173: {  	s19 =	simm.s32 @!p1 $0x2;
	s18 =	sadd.s32 $0x10000, s13;
	s16 =	smov.u32 s12  }
.LBB2_15:
0x174: {  	s10 =	sadd.s32 $0xFFFFFFFF, s10;
	_ =	swait.ge @!p1 [sflag:s19], $0x8000;
	s16 =	sadd.s32 $0x10000, s16  }
0x175: {  	p2 =	sne.s32 s10, $0x0;
	[sflag:s19] =	ssyncset.done @!p1 $0x0  }
0x176: {  	[sflag:s19] =	ssyncadd.s32 @!p1 $0xFFFF8000  }
0x177: {  	[hbm4b:s6+s15] =	stream.linear.scatter @!p1 [tilespmem:s14], [sflag:$0x4], $0x8000, $0x38;
	[tilespmem:$0x18C00] =	vst v63  }
0x178: {  	p3 =	sgt.s32 s9, s2;
	p1 =	sge.s32 s9, s2  }
0x179: {  	s6 =	simm.s32 @!p1 $0x4;
	s15 =	sadd.s32 @!p1 s18, s17;
	s14 =	simm.s32 @!p1 $0x8000  }
0x17a: {  	s19 =	sadd.s32 @!p1 $0x10000, s15;
	s15 =	simm.s32 @!p1 $0x0;
	_ =	swait.ge @!p1 [sflag:s6], $0x8000  }
0x17b: {  	s20 =	sadd.s32 @!p3 s16, s17;
	s19 =	sshrl.u32 @!p1 s19, $0x3;
	[sflag:s6] =	ssyncset.done @!p1 $0x0  }
0x17c: {  	[sflag:s6] =	ssyncadd.s32 @!p1 $0xFFFF8000;
	s6 =	sadd.s32 @!p1 s1, s19;
	s19 =	simm.s32 @!p3 $0x3  }
0x17d: {  	[tilespmem:s14], [sflag:$0x2] =	stream.linear.gather @!p1 [hbm4b:s6+s15], $0x8000, $0x38;
	[tilespmem:$0x18C00] =	vst v63  }
0x17e: {  	s6 =	sadd.s32 @!p3 $0x8000, s20;
	s20 =	sadd.s32 @!p1 s16, s17;
	_ =	swait.ge @!p3 [sflag:s19], $0x8000  }
0x17f: {  	s22 =	sadd.s32 $0x1, s9;
	s6 =	sshrl.u32 @!p3 s6, $0x3;
	[sflag:s19] =	ssyncset.done @!p3 $0x0  }
0x180: {  	p4 =	sge.s32 s22, s2;
	s6 =	sadd.s32 @!p3 s4, s6;
	[sflag:s19] =	ssyncadd.s32 @!p3 $0xFFFF8000  }
0x181: {  	s22 =	simm.s32 @!p4 $0x5;
	s20 =	sadd.s32 @!p1 $0x10000, s20;
	s19 =	sadd.s32 @!p4 s18, s17  }
0x182: {  	s13 =	simm.s32 @!p3 $0x0;
	s28 =	simm.s32 @!p3 $0x10000;
	s19 =	sadd.s32 @!p4 $0x18000, s19  }
0x183: {  	s12 =	simm.s32 @!p4 $0x0;
	s24 =	simm.s32 @!p4 $0x10000;
	s19 =	sshrl.u32 @!p4 s19, $0x3  }
0x184: {  	[hbm4b:s6+s13] =	stream.linear.scatter @!p3 [tilespmem:s28], [sflag:$0x5], $0x8000, $0x38;
	[tilespmem:$0x18C00] =	vst v63  }
.Ltmp15:
0x185: {  	_ = 	snop;
	(pc) =	sbr.rel @p2 .LBB2_15-.Ltmp15, $4  }
0x186: {  	s13 =	sadd.s32 @!p4 s1, s19;
	s19 =	simm.s32 @!p1 $0x2;
	_ =	swait.ge @!p4 [sflag:s22], $0x8000  }
0x187: {  	s9 =	sadd.s32 $0x2, s9;
	s6 =	sshrl.u32 @!p1 s20, $0x3;
	[sflag:s22] =	ssyncset.done @!p4 $0x0  }
0x188: {  	s18 =	sadd.s32 $0x10000, s18;
	s6 =	sadd.s32 @!p1 s4, s6;
	[sflag:s22] =	ssyncadd.s32 @!p4 $0xFFFF8000  }
0x189: {  	[tilespmem:s24], [sflag:$0x3] =	stream.linear.gather @!p4 [hbm4b:s13+s12], $0x8000, $0x38;
	[tilespmem:$0x18C00] =	vst v63  }
.LBB2_16:
0x18a: {  	_ =	swait.ge @!p1 [sflag:s19], $0x8000;
	s18 =	simm.s32 $0x0  }
0x18b: {  	s22 =	simm.s32 $0x8000;
	[sflag:s19] =	ssyncset.done @!p1 $0x0;
	s20 =	rddreg [dreg:$0x7]  }
0x18c: {  	s24 =	simm.s32 $0x8;
	s28 =	rddreg [dreg:$0xc];
	[sflag:s19] =	ssyncadd.s32 @!p1 $0xFFFF8000  }
0x18d: {  	s19 =	smov.u32 s8;
	s8 =	smov.u32 s11;
	s11 =	rddreg [dreg:$0x6]  }
0x18e: {  	[hbm4b:s6+s15] =	stream.linear.scatter @!p1 [tilespmem:s14], [sflag:$0x4], $0x8000, $0x38;
	[tilespmem:$0x18C00] =	vst v63  }
.LBB2_17:
0x18f: {  	p1 =	slt.s32 s2, $0x1  }
0x190: {  	s6 =	simm.s32 @!p1 $0x4  }
0x191: {  	p2 =	seq.s32 @!p1 s2, $0x1;
	_ =	swait.ge @!p1 [sflag:s6], $0x8000  }
0x192: {  	p2 =	por p2, p1;
	[sflag:s6] =	ssyncset.done @!p1 $0x0  }
0x193: {  	[sflag:s6] =	ssyncadd.s32 @!p1 $0xFFFF8000;
	s6 =	simm.s32 @!p2 $0x5  }
0x194: {  	_ =	swait.ge @!p2 [sflag:s6], $0x8000  }
0x195: {  	[sflag:s6] =	ssyncset.done @!p2 $0x0  }
0x196: {  	[sflag:s6] =	ssyncadd.s32 @!p2 $0xFFFF8000  }
.LBB2_18:
0x197: {  	s2 =	sshll.u32 s2, $0x8  }
0x198: {  	p1 =	sle.s32 s29, s2  }
.Ltmp16:
0x199: {  	_ = 	snop;
	(pc) =	sbr.rel @p1 .LBB2_20-.Ltmp16, $1  }
0x19a: {  	_ =	sdelay $0x3  }
0x19b: {  	s3 =	sadd.s32 s3, s2  }
0x19c: {  	p1 =	slt.s32 s3, $0x7F00;
	s6 =	smov.u32 s3  }
0x19d: {  	s6 =	simm.s32 @!p1 $0x7F00  }
0x19e: {  	s9 =	sshll.u32 s6, $0x4  }
0x19f: {  	s9 =	sand.u32 $0x1FFFFFF0, s9  }
0x1a0: {  	s17 =	sand.u32 $0x40, s29;
	s9 =	sadd.s32 s1, s9  }
0x1a1: {  	[tilespmem:s22], [sflag:$0x8] =	stream.linear.gather [hbm4b:s9+s18], $0x8000, $0x38;
	[tilespmem:$0x18C00] =	vst v63  }
0x1a2: {  	s2 =	sadd.s32 s31, s2;
	p2 =	seq.s32 s17, $0x0;
	s9 =	sand.u32 $0x80, s29  }
0x1a3: {  	s3 =	ssub.s32 s3, s6;
	_ =	swait.ge [sflag:s24], $0x8000;
	p1 =	seq.s32 s9, $0x0  }
0x1a4: {  	[sflag:s24] =	ssyncset.done $0x0;
	s6 =	sshll.u32 @!p1 s2, $0x4;
	s10 =	sshll.u32 @!p1 s3, $0x9  }
0x1a5: {  	s12 =	simm.s32 @!p1 $0x0;
	s6 =	sand.u32 @!p1 $0x1FFFF000, s6;
	s10 =	sshra.s32 @!p1 s10, $0x2  }
0x1a6: {  	[sflag:s24] =	ssyncadd.s32 $0xFFFF8000;
	s6 =	sadd.s32 @!p1 s4, s6;
	s10 =	sadd.s32 @!p1 $0x8000, s10  }
0x1a7: {  	[hbm4b:s6+s12] =	stream.linear.scatter @!p1 [tilespmem:s10], [sflag:$0x8], $0x4000, $0x38;
	[tilespmem:$0x18C00] =	vst v63  }
0x1a8: {  	s10 =	simm.s32 @!p1 $0x8;
	s6 =	sor.u32 @!p2 s9, s2  }
0x1a9: {  	s9 =	sadd.s32 @!p2 s9, s3;
	s12 =	sand.u32 $0x20, s29;
	_ =	swait.ge @!p1 [sflag:s10], $0x4000  }
0x1aa: {  	s6 =	sshll.u32 @!p2 s6, $0x4;
	s9 =	sshll.u32 @!p2 s9, $0x9;
	[sflag:s10] =	ssyncset.done @!p1 $0x0  }
0x1ab: {  	s6 =	sand.u32 @!p2 $0x1FFFF800, s6;
	s9 =	sshra.s32 @!p2 s9, $0x2;
	[sflag:s10] =	ssyncadd.s32 @!p1 $0xFFFFC000  }
0x1ac: {  	s6 =	sadd.s32 @!p2 s4, s6;
	s9 =	sadd.s32 @!p2 $0x8000, s9;
	s10 =	simm.s32 @!p2 $0x0  }
0x1ad: {  	[hbm4b:s6+s10] =	stream.linear.scatter @!p2 [tilespmem:s9], [sflag:$0x8], $0x2000, $0x38;
	[tilespmem:$0x18C00] =	vst v63  }
0x1ae: {  	p1 =	seq.s32 s12, $0x0;
	s6 =	simm.s32 @!p2 $0x8  }
0x1af: {  	s13 =	sand.u32 $0x10, s29;
	s9 =	sand.u32 @!p1 $0xC0, s29;
	_ =	swait.ge @!p2 [sflag:s6], $0x2000  }
0x1b0: {  	s10 =	sor.u32 @!p1 s9, s2;
	s9 =	sadd.s32 @!p1 s9, s3;
	[sflag:s6] =	ssyncset.done @!p2 $0x0  }
0x1b1: {  	s10 =	sshll.u32 @!p1 s10, $0x4;
	s9 =	sshll.u32 @!p1 s9, $0x9;
	[sflag:s6] =	ssyncadd.s32 @!p2 $0xFFFFE000  }
0x1b2: {  	s6 =	sand.u32 @!p1 $0x1FFFFC00, s10;
	s9 =	sshra.s32 @!p1 s9, $0x2;
	s10 =	simm.s32 @!p1 $0x0  }
0x1b3: {  	p2 =	seq.s32 s13, $0x0;
	s6 =	sadd.s32 @!p1 s4, s6;
	s9 =	sadd.s32 @!p1 $0x8000, s9  }
0x1b4: {  	[hbm4b:s6+s10] =	stream.linear.scatter @!p1 [tilespmem:s9], [sflag:$0x8], $0x1000, $0x38;
	[tilespmem:$0x18C00] =	vst v63  }
0x1b5: {  	s14 =	sand.u32 $0x8, s29;
	s6 =	simm.s32 @!p1 $0x8;
	s9 =	sand.u32 @!p2 $0xE0, s29  }
0x1b6: {  	_ =	swait.ge @!p1 [sflag:s6], $0x1000;
	s10 =	sor.u32 @!p2 s9, s2;
	s9 =	sadd.s32 @!p2 s9, s3  }
0x1b7: {  	[sflag:s6] =	ssyncset.done @!p1 $0x0;
	s10 =	sshll.u32 @!p2 s10, $0x4;
	s9 =	sshll.u32 @!p2 s9, $0x9  }
0x1b8: {  	[sflag:s6] =	ssyncadd.s32 @!p1 $0xFFFFF000;
	s6 =	sand.u32 @!p2 $0x1FFFFE00, s10;
	s9 =	sshra.s32 @!p2 s9, $0x2  }
0x1b9: {  	s10 =	simm.s32 @!p2 $0x0;
	s6 =	sadd.s32 @!p2 s4, s6;
	s9 =	sadd.s32 @!p2 $0x8000, s9  }
0x1ba: {  	[hbm4b:s6+s10] =	stream.linear.scatter @!p2 [tilespmem:s9], [sflag:$0x8], $0x800, $0x38;
	[tilespmem:$0x18C00] =	vst v63  }
0x1bb: {  	p1 =	seq.s32 s14, $0x0;
	s6 =	simm.s32 @!p2 $0x8  }
0x1bc: {  	s15 =	sand.u32 $0x4, s29;
	s9 =	sand.u32 @!p1 $0xF0, s29;
	_ =	swait.ge @!p2 [sflag:s6], $0x800  }
0x1bd: {  	s10 =	sor.u32 @!p1 s9, s2;
	s9 =	sadd.s32 @!p1 s9, s3;
	[sflag:s6] =	ssyncset.done @!p2 $0x0  }
0x1be: {  	s10 =	sshll.u32 @!p1 s10, $0x4;
	s9 =	sshll.u32 @!p1 s9, $0x9;
	[sflag:s6] =	ssyncadd.s32 @!p2 $0xFFFFF800  }
0x1bf: {  	s6 =	sand.u32 @!p1 $0x1FFFFF00, s10;
	s9 =	sshra.s32 @!p1 s9, $0x2;
	s10 =	simm.s32 @!p1 $0x0  }
0x1c0: {  	p2 =	seq.s32 s15, $0x0;
	s6 =	sadd.s32 @!p1 s4, s6;
	s9 =	sadd.s32 @!p1 $0x8000, s9  }
0x1c1: {  	[hbm4b:s6+s10] =	stream.linear.scatter @!p1 [tilespmem:s9], [sflag:$0x8], $0x400, $0x38;
	[tilespmem:$0x18C00] =	vst v63  }
0x1c2: {  	s16 =	sand.u32 $0x2, s29;
	s6 =	simm.s32 @!p1 $0x8;
	s9 =	sand.u32 @!p2 $0xF8, s29  }
0x1c3: {  	_ =	swait.ge @!p1 [sflag:s6], $0x400;
	s10 =	sor.u32 @!p2 s9, s2;
	s9 =	sadd.s32 @!p2 s9, s3  }
0x1c4: {  	[sflag:s6] =	ssyncset.done @!p1 $0x0;
	s10 =	sshll.u32 @!p2 s10, $0x4;
	s9 =	sshll.u32 @!p2 s9, $0x9  }
0x1c5: {  	[sflag:s6] =	ssyncadd.s32 @!p1 $0xFFFFFC00;
	s6 =	sand.u32 @!p2 $0x1FFFFF80, s10;
	s9 =	sshra.s32 @!p2 s9, $0x2  }
0x1c6: {  	s10 =	simm.s32 @!p2 $0x0;
	s6 =	sadd.s32 @!p2 s4, s6;
	s9 =	sadd.s32 @!p2 $0x8000, s9  }
0x1c7: {  	[hbm4b:s6+s10] =	stream.linear.scatter @!p2 [tilespmem:s9], [sflag:$0x8], $0x200, $0x38;
	[tilespmem:$0x18C00] =	vst v63  }
0x1c8: {  	p1 =	seq.s32 s16, $0x0;
	s6 =	simm.s32 @!p2 $0x8  }
0x1c9: {  	s17 =	sand.u32 $0x1, s29;
	s9 =	sand.u32 @!p1 $0xFC, s29;
	_ =	swait.ge @!p2 [sflag:s6], $0x200  }
0x1ca: {  	s10 =	sor.u32 @!p1 s9, s2;
	s9 =	sadd.s32 @!p1 s9, s3;
	[sflag:s6] =	ssyncset.done @!p2 $0x0  }
0x1cb: {  	s10 =	sshll.u32 @!p1 s10, $0x4;
	s9 =	sshll.u32 @!p1 s9, $0x9;
	[sflag:s6] =	ssyncadd.s32 @!p2 $0xFFFFFE00  }
0x1cc: {  	s6 =	sand.u32 @!p1 $0x1FFFFFC0, s10;
	s9 =	sshra.s32 @!p1 s9, $0x2;
	s10 =	simm.s32 @!p1 $0x0  }
0x1cd: {  	p2 =	seq.s32 s17, $0x0;
	s6 =	sadd.s32 @!p1 s4, s6;
	s9 =	sadd.s32 @!p1 $0x8000, s9  }
0x1ce: {  	[hbm4b:s6+s10] =	stream.linear.scatter @!p1 [tilespmem:s9], [sflag:$0x8], $0x100, $0x38;
	[tilespmem:$0x18C00] =	vst v63  }
0x1cf: {  	s6 =	simm.s32 @!p1 $0x8;
	s9 =	sand.u32 @!p2 $0xFE, s29  }
0x1d0: {  	_ =	swait.ge @!p1 [sflag:s6], $0x100;
	s2 =	sor.u32 @!p2 s9, s2;
	s3 =	sadd.s32 @!p2 s9, s3  }
0x1d1: {  	[sflag:s6] =	ssyncset.done @!p1 $0x0;
	s2 =	sshll.u32 @!p2 s2, $0x4;
	s3 =	sshll.u32 @!p2 s3, $0x9  }
0x1d2: {  	[sflag:s6] =	ssyncadd.s32 @!p1 $0xFFFFFF00;
	s2 =	sand.u32 @!p2 $0x1FFFFFE0, s2;
	s3 =	sshra.s32 @!p2 s3, $0x2  }
0x1d3: {  	s6 =	simm.s32 @!p2 $0x0;
	s2 =	sadd.s32 @!p2 s4, s2;
	s3 =	sadd.s32 @!p2 $0x8000, s3  }
0x1d4: {  	[hbm4b:s2+s6] =	stream.linear.scatter @!p2 [tilespmem:s3], [sflag:$0x8], $0x80, $0x38;
	[tilespmem:$0x18C00] =	vst v63  }
.Ltmp17:
0x1d5: {  	_ = 	snop;
	(pc) =	sbr.rel .LBB2_20-.Ltmp17, $4  }
0x1d6: {  	s2 =	simm.s32 @!p2 $0x8  }
0x1d7: {  	_ =	swait.ge @!p2 [sflag:s2], $0x80  }
0x1d8: {  	[sflag:s2] =	ssyncset.done @!p2 $0x0  }
0x1d9: {  	[sflag:s2] =	ssyncadd.s32 @!p2 $0xFFFFFF80  }
.LBB2_21:
0x1da: {  	p0 =	sgt.s32 s23, $0x0  }
.Ltmp18:
0x1db: {  	_ = 	snop;
	(pc) =	sbr.rel @!p0 .LBB2_25-.Ltmp18, $2  }
0x1dc: {  	_ =	sdelay $0x2  }
0x1dd: {  	s2 =	simm.s32 $0x0;
	s3 =	rddreg [dreg:$0xb]  }
0x1de: {  	s2 =	sadd.s32 $0x1, s2  }
0x1df: {  	p0 =	slt.s32 s2, s23  }
.Ltmp19:
0x1e0: {  	_ = 	snop;
	(pc) =	sbr.rel @!p0 .LBB2_24-.Ltmp19, $3  }
0x1e1: {  	_ =	sdelay $0x1  }
0x1e2: {  	_ =	swait.ge [sflag:s21], $0xC00  }
0x1e3: {  	[sflag:s21] =	ssyncset.done $0x0  }
.LBB2_23:
0x1e4: {  	s2 =	sadd.s32 $0x1, s2  }
0x1e5: {  	[sflag:s21] =	ssyncadd.s32 $0xFFFFF400;
	p0 =	slt.s32 s2, s23  }
.Ltmp20:
0x1e6: {  	(pc) =	sbr.rel @p0 .LBB2_23-.Ltmp20, $3  }
0x1e7: {  	_ =	sdelay $0x1  }
0x1e8: {  	_ =	swait.ge [sflag:s21], $0xC00  }
0x1e9: {  	[sflag:s21] =	ssyncset.done $0x0  }
.Ltmp21:
0x1ea: {  	_ = 	snop;
	(pc) =	sbr.rel .LBB2_24-.Ltmp21, $1  }
0x1eb: {  	_ =	sdelay $0x3  }
.LBB2_26:
0x1ec: {  	_ =	sfence.sel $0x180000  }
0x1ed: {  	[bflag:$0x0] =	sbarrier.arrive $0xFFFF  }
0x1ee: {  	_ =	strace $0x90000047  }
0x1ef: {  	[bflag:$0x2] =	sbarrier.arrive $0xFFFF  }
0x1f0: {  	p0 =	sne.s32 s0, $0x0;
	s0 =	rddreg [dreg:$0x4]  }
0x1f1: {  	s0 =	sadd.s32 @!p0 $0x100000, s0  }
0x1f2: {  	[sflag:s0] =	ssyncadd.tile.s32 @!p0 $0x1;
	_ =	shalt  }
.Lfunc_end2:
_tile_overlayer_lowered:
.L_overlay_start_2:
0x1f3: {  	(tag) =	ssettag $0x2  }
0x1f4: {  	s0 =	rddreg [dreg:$0x0];
	s2 =	stileid.u32  }
0x1f5: {  	s1 =	rddreg [dreg:$0x1];
	p0 =	sne.s32 s2, $0x0  }
0x1f6: {  	s3 =	rddreg [dreg:$0x2];
	[bflag:$0x3] =	sbarrier.arrive $0xFFFF;
	s2 =	simm.s32 @!p0 $0x1C07  }
0x1f7: {  	[timem:s3], [sflag:s2] =	dma.local @!p0 [hbm:s0], s1  }
0x1f8: {  	s0 =	simm.s32 @!p0 $0x7  }
0x1f9: {  	_ =	swait.ge @!p0 [sflag:s0], s1  }
0x1fa: {  	s1 =	ssub.s32 @!p0 $0x0, s1;
	[sflag:s0] =	ssyncset.done @!p0 $0x0  }
0x1fb: {  	[sflag:s0] =	ssyncadd.s32 @!p0 s1  }
0x1fc: {  	[bflag:$0x3] =	sbarrier.arrive $0xFFFF  }
0x1fd: {  	_ =	shalt  }

</sc_bundles>
